<compile_context>
chip_gen: v7x
topology: tpu7x:2x2x1
jax: 0.10.2.dev20260603
libtpu: 0.0.44.dev20260713+nightly
codegen_flags: <defaults>
</compile_context>

<pallas_src>
import functools

import jax
import jax.numpy as jnp
from jax import lax
from jax.experimental import pallas as pl
from jax.experimental.pallas import tpu as pltpu
from jax.experimental.pallas import tpu_sc as plsc

_K = 32
_L = 16
_NW = 32
_NT = 128


def _sc_body(N, T, params_hbm, ch_hbm, rw_hbm, out_hbm,
             params_v, ch_v, rw_v, vtab, sem):
    wid = lax.axis_index("s") * 2 + lax.axis_index("c")
    n0 = wid * _NT
    kbs = _K // 8
    piece = 8 * _NT
    tslab = kbs * (N // _NT) * piece

    pltpu.sync_copy(params_hbm, params_v)
    iv = params_v[pl.ds(0, _L)]
    ap = params_v[pl.ds(_L, _L)]
    am = params_v[pl.ds(2 * _L, _L)]
    iota = lax.iota(jnp.int32, _L)
    rows_s = [iota + s * _L for s in range(_NT // _L)]

    pltpu.sync_copy(ch_hbm.at[pl.ds(n0, _NT), :], ch_v.at[:, pl.ds(0, T)])
    pltpu.sync_copy(rw_hbm.at[pl.ds(n0, _NT), :], rw_v.at[:, pl.ds(0, T)])

    for k in range(_K):
        for j in range(_NT // _L):
            vtab[pl.ds(k * _NT + j * _L, _L)] = iv

    def step(t, carry):
        base = t * tslab + wid * piece
        for kb in range(kbs):
            pltpu.async_copy(
                vtab.at[pl.ds(kb * piece, piece)],
                out_hbm.at[pl.ds(base + kb * (N // _NT) * piece, piece)],
                sem)
        t_vec = jnp.full((_L,), t, jnp.int32)
        upds = []
        for s in range(_NT // _L):
            ch = plsc.load_gather(ch_v, [rows_s[s], t_vec])
            rw = plsc.load_gather(rw_v, [rows_s[s], t_vec])
            kpos = ch * _NT + rows_s[s]
            chosen = plsc.load_gather(vtab, [kpos])
            pe = rw - chosen
            pe = jnp.where(rw != rw, 0.0, pe)
            coef = jnp.where(pe >= 0, ap, am)
            upds.append((kpos, chosen + coef * pe))
        pltpu.make_async_copy(vtab, out_hbm.at[pl.ds(0, _K * _NT)],
                              sem).wait()
        for kpos, upd in upds:
            plsc.store_scatter(vtab, [kpos], upd)
        return carry

    lax.fori_loop(0, T, step, 0)


def kernel(choices, rewards, alpha_plus, alpha_minus, initial_values):
    N, T = choices.shape
    iv = 100.0 * jnp.tanh(initial_values)
    ap = jax.nn.sigmoid(alpha_plus)
    am = jax.nn.sigmoid(alpha_minus)
    params = jnp.concatenate([
        jnp.full((_L,), iv, jnp.float32),
        jnp.full((_L,), ap, jnp.float32),
        jnp.full((_L,), am, jnp.float32),
    ])

    mesh = plsc.VectorSubcoreMesh(core_axis_name="c", subcore_axis_name="s")
    run = pl.kernel(
        functools.partial(_sc_body, N, T),
        out_type=jax.ShapeDtypeStruct((N * T * _K,), jnp.float32),
        mesh=mesh,
        scratch_types=[
            pltpu.VMEM((3 * _L,), jnp.float32),
            pltpu.VMEM((_NT, T + 1), jnp.int32),
            pltpu.VMEM((_NT, T + 1), jnp.float32),
            pltpu.VMEM((_K * _NT,), jnp.float32),
            pltpu.SemaphoreType.DMA,
        ],
        compiler_params=pltpu.CompilerParams(
            use_tc_tiling_on_sc=False, needs_layout_passes=False),
    )
    out5d = run(params, choices, rewards).reshape(
        T, _K // 8, N // _NT, 8, _NT)
    return out5d.transpose((2, 4, 0, 1, 3)).reshape(N, T, _K)

# --- scband reference (transcript-rebuilt; emitter-appended) ---
"""Pipeline reference for scband-tabular-rescorla-wagner-plus-minus-value-updating-7670811590764 (READ-ONLY COPY).

The authoritative reference and input builder live on the scoring server;
editing this copy changes nothing except your own understanding.
"""

import jax, jax.numpy as jnp
import numpy as np

N, T, K = 4096, 200, 32
MAX_INITIAL_VALUES = 100.0


def setup_inputs(seed: int = 0) -> dict:
    key = jax.random.key(seed)
    k1, k2, k3, k4, k5 = jax.random.split(key, 5)
    choices = jax.random.randint(k1, (N, T), 0, K, dtype=jnp.int64 if jax.config.jax_enable_x64 else jnp.int32).astype(jnp.int32)
    rewards = jax.random.normal(k2, (N, T), dtype=jnp.float32)
    alpha_plus = (0.01 * jax.random.normal(k3, (), dtype=jnp.float32))
    alpha_minus = (0.01 * jax.random.normal(k4, (), dtype=jnp.float32))
    initial_values = (0.01 * jax.random.normal(k5, (), dtype=jnp.float32))
    return {
        "choices": choices,
        "rewards": rewards,
        "alpha_plus": alpha_plus,
        "alpha_minus": alpha_minus,
        "initial_values": initial_values,
    }


def reference(choices, rewards, alpha_plus, alpha_minus, initial_values):
    n_tasks, n_trials = choices.shape
    iv = MAX_INITIAL_VALUES * jnp.tanh(initial_values)
    ap = jax.nn.sigmoid(alpha_plus)
    am = jax.nn.sigmoid(alpha_minus)
    v0 = jnp.ones((n_tasks, K), dtype=jnp.float32) * iv
    row_idx = jnp.arange(n_tasks)

    def step(v, inp):
        ch, rw = inp
        chosen = v[row_idx, ch]
        pe = rw - chosen
        pe = jnp.where(jnp.isnan(rw), 0.0, pe)
        upd = (chosen
               + ap * pe * (pe >= 0).astype(jnp.float32)
               + am * pe * (pe < 0).astype(jnp.float32))
        v_next = v.at[row_idx, ch].set(upd)
        return v_next, v_next

    xs = (jnp.transpose(choices[:, : n_trials - 1]),
          jnp.transpose(rewards[:, : n_trials - 1]))
    _, vs = jax.lax.scan(step, v0, xs)
    values = jnp.concatenate([v0[:, None, :], jnp.transpose(vs, (1, 0, 2))], axis=1)
    return values

if __name__ == "__main__":
    import jax
    _d = setup_inputs()
    print(jax.jit(kernel)(*tuple(_d.values())))

</pallas_src>

<mosaic_0001>
#map = affine_map<(d0, d1) -> (0)>
#map1 = affine_map<(d0, d1) -> (0, 0)>
module attributes {stable_mosaic.version = 14 : i64} {
  func.func @_sc_body(%arg0: i32, %arg1: i32, %arg2: memref<48xf32, #tpu.memory_space<hbm>>, %arg3: memref<4096x200xi32, #tpu.memory_space<hbm>>, %arg4: memref<4096x200xf32, #tpu.memory_space<hbm>>, %arg5: memref<26214400xf32, #tpu.memory_space<hbm>>, %arg6: memref<48xf32, #tpu.memory_space<vmem>>, %arg7: memref<128x201xi32, #tpu.memory_space<vmem>>, %arg8: memref<128x201xf32, #tpu.memory_space<vmem>>, %arg9: memref<4096xf32, #tpu.memory_space<vmem>>, %arg10: memref<!tpu.dma_semaphore, #tpu.memory_space<semaphore_mem>>) attributes {dimension_semantics = [#tpu.dimension_semantics<core_parallel>, #tpu.dimension_semantics<subcore_parallel>], iteration_bounds = array<i64: 2, 16>, scalar_prefetch = 0 : i64, scratch_operands = 5 : i64, tpu.core_type = #tpu.core_type<sc_vector_subcore>, window_params = [{transform_indices = #map}, {transform_indices = #map1}, {transform_indices = #map1}, {transform_indices = #map}]} {
    %mul3A = arith.constant 2 : i32
    %mul3A_0 = arith.muli %arg1, %mul3A : i32
    %add3A = arith.addi %mul3A_0, %arg0 : i32
    %mul3A_1 = arith.constant 128 : i32
    %mul3A_2 = arith.muli %add3A, %mul3A_1 : i32
    "tpu.region"() ({
      %run_scoped3A = tpu.sem_alloc : memref<!tpu.dma_semaphore, #tpu.memory_space<semaphore_mem>>
      tpu.enqueue_dma source(%arg2 : memref<48xf32, #tpu.memory_space<hbm>>) target(%arg6 : memref<48xf32, #tpu.memory_space<vmem>>) target_semaphore(%run_scoped3A : memref<!tpu.dma_semaphore, #tpu.memory_space<semaphore_mem>>)
      tpu.wait_dma2 semaphore(%run_scoped3A : memref<!tpu.dma_semaphore, #tpu.memory_space<semaphore_mem>>) src(%arg2 : memref<48xf32, #tpu.memory_space<hbm>>) dst(%arg6 : memref<48xf32, #tpu.memory_space<vmem>>)
      tpu.yield
    }) : () -> ()
    %get3A = arith.constant 0 : index
    %get3A_3 = tpu.vector_load %arg6[%get3A] {strides = array<i32>} : memref<48xf32, #tpu.memory_space<vmem>>, vector<16xf32>,
    %get3A_4 = arith.constant 16 : index
    %get3A_5 = tpu.vector_load %arg6[%get3A_4] {strides = array<i32>} : memref<48xf32, #tpu.memory_space<vmem>>, vector<16xf32>,
    %get3A_6 = arith.constant 32 : index
    %get3A_7 = tpu.vector_load %arg6[%get3A_6] {strides = array<i32>} : memref<48xf32, #tpu.memory_space<vmem>>, vector<16xf32>,
    %iota3A = tpu.iota {dimensions = array<i32: 0>} : vector<16xi32>
    %add3A_8 = arith.constant 0 : i32
    %add3A_9 = vector.broadcast %add3A_8 : i32 to vector<16xi32>
    %add3A_10 = arith.addi %iota3A, %add3A_9 : vector<16xi32>
    %add3A_11 = arith.constant 16 : i32
    %add3A_12 = vector.broadcast %add3A_11 : i32 to vector<16xi32>
    %add3A_13 = arith.addi %iota3A, %add3A_12 : vector<16xi32>
    %add3A_14 = arith.constant 32 : i32
    %add3A_15 = vector.broadcast %add3A_14 : i32 to vector<16xi32>
    %add3A_16 = arith.addi %iota3A, %add3A_15 : vector<16xi32>
    %add3A_17 = arith.constant 48 : i32
    %add3A_18 = vector.broadcast %add3A_17 : i32 to vector<16xi32>
    %add3A_19 = arith.addi %iota3A, %add3A_18 : vector<16xi32>
    %add3A_20 = arith.constant 64 : i32
    %add3A_21 = vector.broadcast %add3A_20 : i32 to vector<16xi32>
    %add3A_22 = arith.addi %iota3A, %add3A_21 : vector<16xi32>
    %add3A_23 = arith.constant 80 : i32
    %add3A_24 = vector.broadcast %add3A_23 : i32 to vector<16xi32>
    %add3A_25 = arith.addi %iota3A, %add3A_24 : vector<16xi32>
    %add3A_26 = arith.constant 96 : i32
    %add3A_27 = vector.broadcast %add3A_26 : i32 to vector<16xi32>
    %add3A_28 = arith.addi %iota3A, %add3A_27 : vector<16xi32>
    %add3A_29 = arith.constant 112 : i32
    %add3A_30 = vector.broadcast %add3A_29 : i32 to vector<16xi32>
    %add3A_31 = arith.addi %iota3A, %add3A_30 : vector<16xi32>
    "tpu.region"() ({
      %run_scoped3A = tpu.sem_alloc : memref<!tpu.dma_semaphore, #tpu.memory_space<semaphore_mem>>
      %dma_start3A = arith.constant 0 : i32
      %dma_start3A_548 = arith.constant 0 : i32
      %dma_start3A_549 = tpu.memref_slice %arg7[%dma_start3A, %dma_start3A_548] : memref<128x201xi32, #tpu.memory_space<vmem>> -> memref<128x200xi32, #tpu.memory_space<vmem>>
      %dma_start3A_550 = arith.constant 0 : i32
      %dma_start3A_551 = tpu.memref_slice %arg3[%mul3A_2, %dma_start3A_550] : memref<4096x200xi32, #tpu.memory_space<hbm>> -> memref<128x200xi32, #tpu.memory_space<hbm>>
      %dma_start3A_552 = arith.constant 0 : i32
      %dma_start3A_553 = arith.constant 0 : i32
      %dma_start3A_554 = tpu.memref_slice %arg7[%dma_start3A_552, %dma_start3A_553] : memref<128x201xi32, #tpu.memory_space<vmem>> -> memref<128x200xi32, #tpu.memory_space<vmem>>
      %dma_start3A_555 = arith.constant 0 : i32
      %dma_start3A_556 = tpu.memref_slice %arg3[%mul3A_2, %dma_start3A_555] : memref<4096x200xi32, #tpu.memory_space<hbm>> -> memref<128x200xi32, #tpu.memory_space<hbm>>
      tpu.enqueue_dma source(%dma_start3A_556 : memref<128x200xi32, #tpu.memory_space<hbm>>) target(%dma_start3A_554 : memref<128x200xi32, #tpu.memory_space<vmem>>) target_semaphore(%run_scoped3A : memref<!tpu.dma_semaphore, #tpu.memory_space<semaphore_mem>>)
      %dma_wait3A = arith.constant 0 : i32
      %dma_wait3A_557 = arith.constant 0 : i32
      %dma_wait3A_558 = tpu.memref_slice %arg7[%dma_wait3A, %dma_wait3A_557] : memref<128x201xi32, #tpu.memory_space<vmem>> -> memref<128x200xi32, #tpu.memory_space<vmem>>
      %dma_wait3A_559 = arith.constant 0 : i32
      %dma_wait3A_560 = tpu.memref_slice %arg3[%mul3A_2, %dma_wait3A_559] : memref<4096x200xi32, #tpu.memory_space<hbm>> -> memref<128x200xi32, #tpu.memory_space<hbm>>
      %dma_wait3A_561 = arith.constant 0 : i32
      %dma_wait3A_562 = arith.constant 0 : i32
      %dma_wait3A_563 = tpu.memref_slice %arg7[%dma_wait3A_561, %dma_wait3A_562] : memref<128x201xi32, #tpu.memory_space<vmem>> -> memref<128x200xi32, #tpu.memory_space<vmem>>
      %dma_wait3A_564 = arith.constant 0 : i32
      %dma_wait3A_565 = tpu.memref_slice %arg3[%mul3A_2, %dma_wait3A_564] : memref<4096x200xi32, #tpu.memory_space<hbm>> -> memref<128x200xi32, #tpu.memory_space<hbm>>
      tpu.wait_dma2 semaphore(%run_scoped3A : memref<!tpu.dma_semaphore, #tpu.memory_space<semaphore_mem>>) src(%dma_wait3A_565 : memref<128x200xi32, #tpu.memory_space<hbm>>) dst(%dma_wait3A_563 : memref<128x200xi32, #tpu.memory_space<vmem>>)
      tpu.yield
    }) : () -> ()
    "tpu.region"() ({
      %run_scoped3A = tpu.sem_alloc : memref<!tpu.dma_semaphore, #tpu.memory_space<semaphore_mem>>
      %dma_start3A = arith.constant 0 : i32
      %dma_start3A_548 = arith.constant 0 : i32
      %dma_start3A_549 = tpu.memref_slice %arg8[%dma_start3A, %dma_start3A_548] : memref<128x201xf32, #tpu.memory_space<vmem>> -> memref<128x200xf32, #tpu.memory_space<vmem>>
      %dma_start3A_550 = arith.constant 0 : i32
      %dma_start3A_551 = tpu.memref_slice %arg4[%mul3A_2, %dma_start3A_550] : memref<4096x200xf32, #tpu.memory_space<hbm>> -> memref<128x200xf32, #tpu.memory_space<hbm>>
      %dma_start3A_552 = arith.constant 0 : i32
      %dma_start3A_553 = arith.constant 0 : i32
      %dma_start3A_554 = tpu.memref_slice %arg8[%dma_start3A_552, %dma_start3A_553] : memref<128x201xf32, #tpu.memory_space<vmem>> -> memref<128x200xf32, #tpu.memory_space<vmem>>
      %dma_start3A_555 = arith.constant 0 : i32
      %dma_start3A_556 = tpu.memref_slice %arg4[%mul3A_2, %dma_start3A_555] : memref<4096x200xf32, #tpu.memory_space<hbm>> -> memref<128x200xf32, #tpu.memory_space<hbm>>
      tpu.enqueue_dma source(%dma_start3A_556 : memref<128x200xf32, #tpu.memory_space<hbm>>) target(%dma_start3A_554 : memref<128x200xf32, #tpu.memory_space<vmem>>) target_semaphore(%run_scoped3A : memref<!tpu.dma_semaphore, #tpu.memory_space<semaphore_mem>>)
      %dma_wait3A = arith.constant 0 : i32
      %dma_wait3A_557 = arith.constant 0 : i32
      %dma_wait3A_558 = tpu.memref_slice %arg8[%dma_wait3A, %dma_wait3A_557] : memref<128x201xf32, #tpu.memory_space<vmem>> -> memref<128x200xf32, #tpu.memory_space<vmem>>
      %dma_wait3A_559 = arith.constant 0 : i32
      %dma_wait3A_560 = tpu.memref_slice %arg4[%mul3A_2, %dma_wait3A_559] : memref<4096x200xf32, #tpu.memory_space<hbm>> -> memref<128x200xf32, #tpu.memory_space<hbm>>
      %dma_wait3A_561 = arith.constant 0 : i32
      %dma_wait3A_562 = arith.constant 0 : i32
      %dma_wait3A_563 = tpu.memref_slice %arg8[%dma_wait3A_561, %dma_wait3A_562] : memref<128x201xf32, #tpu.memory_space<vmem>> -> memref<128x200xf32, #tpu.memory_space<vmem>>
      %dma_wait3A_564 = arith.constant 0 : i32
      %dma_wait3A_565 = tpu.memref_slice %arg4[%mul3A_2, %dma_wait3A_564] : memref<4096x200xf32, #tpu.memory_space<hbm>> -> memref<128x200xf32, #tpu.memory_space<hbm>>
      tpu.wait_dma2 semaphore(%run_scoped3A : memref<!tpu.dma_semaphore, #tpu.memory_space<semaphore_mem>>) src(%dma_wait3A_565 : memref<128x200xf32, #tpu.memory_space<hbm>>) dst(%dma_wait3A_563 : memref<128x200xf32, #tpu.memory_space<vmem>>)
      tpu.yield
    }) : () -> ()
    %swap3A = arith.constant 0 : index
    %swap3A_32 = tpu.vector_load %arg9[%swap3A] {strides = array<i32>} : memref<4096xf32, #tpu.memory_space<vmem>>, vector<16xf32>,
    tpu.vector_store %arg9[%swap3A], %get3A_3 {strides = array<i32>} : memref<4096xf32, #tpu.memory_space<vmem>>, vector<16xf32>,
    %swap3A_33 = arith.constant 16 : index
    %swap3A_34 = tpu.vector_load %arg9[%swap3A_33] {strides = array<i32>} : memref<4096xf32, #tpu.memory_space<vmem>>, vector<16xf32>,
    tpu.vector_store %arg9[%swap3A_33], %get3A_3 {strides = array<i32>} : memref<4096xf32, #tpu.memory_space<vmem>>, vector<16xf32>,
    %swap3A_35 = arith.constant 32 : index
    %swap3A_36 = tpu.vector_load %arg9[%swap3A_35] {strides = array<i32>} : memref<4096xf32, #tpu.memory_space<vmem>>, vector<16xf32>,
    tpu.vector_store %arg9[%swap3A_35], %get3A_3 {strides = array<i32>} : memref<4096xf32, #tpu.memory_space<vmem>>, vector<16xf32>,
    %swap3A_37 = arith.constant 48 : index
    %swap3A_38 = tpu.vector_load %arg9[%swap3A_37] {strides = array<i32>} : memref<4096xf32, #tpu.memory_space<vmem>>, vector<16xf32>,
    tpu.vector_store %arg9[%swap3A_37], %get3A_3 {strides = array<i32>} : memref<4096xf32, #tpu.memory_space<vmem>>, vector<16xf32>,
    %swap3A_39 = arith.constant 64 : index
    %swap3A_40 = tpu.vector_load %arg9[%swap3A_39] {strides = array<i32>} : memref<4096xf32, #tpu.memory_space<vmem>>, vector<16xf32>,
    tpu.vector_store %arg9[%swap3A_39], %get3A_3 {strides = array<i32>} : memref<4096xf32, #tpu.memory_space<vmem>>, vector<16xf32>,
    %swap3A_41 = arith.constant 80 : index
    %swap3A_42 = tpu.vector_load %arg9[%swap3A_41] {strides = array<i32>} : memref<4096xf32, #tpu.memory_space<vmem>>, vector<16xf32>,
    tpu.vector_store %arg9[%swap3A_41], %get3A_3 {strides = array<i32>} : memref<4096xf32, #tpu.memory_space<vmem>>, vector<16xf32>,
    %swap3A_43 = arith.constant 96 : index
    %swap3A_44 = tpu.vector_load %arg9[%swap3A_43] {strides = array<i32>} : memref<4096xf32, #tpu.memory_space<vmem>>, vector<16xf32>,
    tpu.vector_store %arg9[%swap3A_43], %get3A_3 {strides = array<i32>} : memref<4096xf32, #tpu.memory_space<vmem>>, vector<16xf32>,
    %swap3A_45 = arith.constant 112 : index
    %swap3A_46 = tpu.vector_load %arg9[%swap3A_45] {strides = array<i32>} : memref<4096xf32, #tpu.memory_space<vmem>>, vector<16xf32>,
    tpu.vector_store %arg9[%swap3A_45], %get3A_3 {strides = array<i32>} : memref<4096xf32, #tpu.memory_space<vmem>>, vector<16xf32>,
    %swap3A_47 = arith.constant 128 : index
    %swap3A_48 = tpu.vector_load %arg9[%swap3A_47] {strides = array<i32>} : memref<4096xf32, #tpu.memory_space<vmem>>, vector<16xf32>,
    tpu.vector_store %arg9[%swap3A_47], %get3A_3 {strides = array<i32>} : memref<4096xf32, #tpu.memory_space<vmem>>, vector<16xf32>,
    %swap3A_49 = arith.constant 144 : index
    %swap3A_50 = tpu.vector_load %arg9[%swap3A_49] {strides = array<i32>} : memref<4096xf32, #tpu.memory_space<vmem>>, vector<16xf32>,
    tpu.vector_store %arg9[%swap3A_49], %get3A_3 {strides = array<i32>} : memref<4096xf32, #tpu.memory_space<vmem>>, vector<16xf32>,
    %swap3A_51 = arith.constant 160 : index
    %swap3A_52 = tpu.vector_load %arg9[%swap3A_51] {strides = array<i32>} : memref<4096xf32, #tpu.memory_space<vmem>>, vector<16xf32>,
    tpu.vector_store %arg9[%swap3A_51], %get3A_3 {strides = array<i32>} : memref<4096xf32, #tpu.memory_space<vmem>>, vector<16xf32>,
    %swap3A_53 = arith.constant 176 : index
    %swap3A_54 = tpu.vector_load %arg9[%swap3A_53] {strides = array<i32>} : memref<4096xf32, #tpu.memory_space<vmem>>, vector<16xf32>,
    tpu.vector_store %arg9[%swap3A_53], %get3A_3 {strides = array<i32>} : memref<4096xf32, #tpu.memory_space<vmem>>, vector<16xf32>,
    %swap3A_55 = arith.constant 192 : index
    %swap3A_56 = tpu.vector_load %arg9[%swap3A_55] {strides = array<i32>} : memref<4096xf32, #tpu.memory_space<vmem>>, vector<16xf32>,
    tpu.vector_store %arg9[%swap3A_55], %get3A_3 {strides = array<i32>} : memref<4096xf32, #tpu.memory_space<vmem>>, vector<16xf32>,
    %swap3A_57 = arith.constant 208 : index
    %swap3A_58 = tpu.vector_load %arg9[%swap3A_57] {strides = array<i32>} : memref<4096xf32, #tpu.memory_space<vmem>>, vector<16xf32>,
    tpu.vector_store %arg9[%swap3A_57], %get3A_3 {strides = array<i32>} : memref<4096xf32, #tpu.memory_space<vmem>>, vector<16xf32>,
    %swap3A_59 = arith.constant 224 : index
    %swap3A_60 = tpu.vector_load %arg9[%swap3A_59] {strides = array<i32>} : memref<4096xf32, #tpu.memory_space<vmem>>, vector<16xf32>,
    tpu.vector_store %arg9[%swap3A_59], %get3A_3 {strides = array<i32>} : memref<4096xf32, #tpu.memory_space<vmem>>, vector<16xf32>,
    %swap3A_61 = arith.constant 240 : index
    %swap3A_62 = tpu.vector_load %arg9[%swap3A_61] {strides = array<i32>} : memref<4096xf32, #tpu.memory_space<vmem>>, vector<16xf32>,
    tpu.vector_store %arg9[%swap3A_61], %get3A_3 {strides = array<i32>} : memref<4096xf32, #tpu.memory_space<vmem>>, vector<16xf32>,
    %swap3A_63 = arith.constant 256 : index
    %swap3A_64 = tpu.vector_load %arg9[%swap3A_63] {strides = array<i32>} : memref<4096xf32, #tpu.memory_space<vmem>>, vector<16xf32>,
    tpu.vector_store %arg9[%swap3A_63], %get3A_3 {strides = array<i32>} : memref<4096xf32, #tpu.memory_space<vmem>>, vector<16xf32>,
    %swap3A_65 = arith.constant 272 : index
    %swap3A_66 = tpu.vector_load %arg9[%swap3A_65] {strides = array<i32>} : memref<4096xf32, #tpu.memory_space<vmem>>, vector<16xf32>,
    tpu.vector_store %arg9[%swap3A_65], %get3A_3 {strides = array<i32>} : memref<4096xf32, #tpu.memory_space<vmem>>, vector<16xf32>,
    %swap3A_67 = arith.constant 288 : index
    %swap3A_68 = tpu.vector_load %arg9[%swap3A_67] {strides = array<i32>} : memref<4096xf32, #tpu.memory_space<vmem>>, vector<16xf32>,
    tpu.vector_store %arg9[%swap3A_67], %get3A_3 {strides = array<i32>} : memref<4096xf32, #tpu.memory_space<vmem>>, vector<16xf32>,
    %swap3A_69 = arith.constant 304 : index
    %swap3A_70 = tpu.vector_load %arg9[%swap3A_69] {strides = array<i32>} : memref<4096xf32, #tpu.memory_space<vmem>>, vector<16xf32>,
    tpu.vector_store %arg9[%swap3A_69], %get3A_3 {strides = array<i32>} : memref<4096xf32, #tpu.memory_space<vmem>>, vector<16xf32>,
    %swap3A_71 = arith.constant 320 : index
    %swap3A_72 = tpu.vector_load %arg9[%swap3A_71] {strides = array<i32>} : memref<4096xf32, #tpu.memory_space<vmem>>, vector<16xf32>,
    tpu.vector_store %arg9[%swap3A_71], %get3A_3 {strides = array<i32>} : memref<4096xf32, #tpu.memory_space<vmem>>, vector<16xf32>,
    %swap3A_73 = arith.constant 336 : index
    %swap3A_74 = tpu.vector_load %arg9[%swap3A_73] {strides = array<i32>} : memref<4096xf32, #tpu.memory_space<vmem>>, vector<16xf32>,
    tpu.vector_store %arg9[%swap3A_73], %get3A_3 {strides = array<i32>} : memref<4096xf32, #tpu.memory_space<vmem>>, vector<16xf32>,
    %swap3A_75 = arith.constant 352 : index
    %swap3A_76 = tpu.vector_load %arg9[%swap3A_75] {strides = array<i32>} : memref<4096xf32, #tpu.memory_space<vmem>>, vector<16xf32>,
    tpu.vector_store %arg9[%swap3A_75], %get3A_3 {strides = array<i32>} : memref<4096xf32, #tpu.memory_space<vmem>>, vector<16xf32>,
    %swap3A_77 = arith.constant 368 : index
    %swap3A_78 = tpu.vector_load %arg9[%swap3A_77] {strides = array<i32>} : memref<4096xf32, #tpu.memory_space<vmem>>, vector<16xf32>,
    tpu.vector_store %arg9[%swap3A_77], %get3A_3 {strides = array<i32>} : memref<4096xf32, #tpu.memory_space<vmem>>, vector<16xf32>,
    %swap3A_79 = arith.constant 384 : index
    %swap3A_80 = tpu.vector_load %arg9[%swap3A_79] {strides = array<i32>} : memref<4096xf32, #tpu.memory_space<vmem>>, vector<16xf32>,
    tpu.vector_store %arg9[%swap3A_79], %get3A_3 {strides = array<i32>} : memref<4096xf32, #tpu.memory_space<vmem>>, vector<16xf32>,
    %swap3A_81 = arith.constant 400 : index
    %swap3A_82 = tpu.vector_load %arg9[%swap3A_81] {strides = array<i32>} : memref<4096xf32, #tpu.memory_space<vmem>>, vector<16xf32>,
    tpu.vector_store %arg9[%swap3A_81], %get3A_3 {strides = array<i32>} : memref<4096xf32, #tpu.memory_space<vmem>>, vector<16xf32>,
    %swap3A_83 = arith.constant 416 : index
    %swap3A_84 = tpu.vector_load %arg9[%swap3A_83] {strides = array<i32>} : memref<4096xf32, #tpu.memory_space<vmem>>, vector<16xf32>,
    tpu.vector_store %arg9[%swap3A_83], %get3A_3 {strides = array<i32>} : memref<4096xf32, #tpu.memory_space<vmem>>, vector<16xf32>,
    %swap3A_85 = arith.constant 432 : index
    %swap3A_86 = tpu.vector_load %arg9[%swap3A_85] {strides = array<i32>} : memref<4096xf32, #tpu.memory_space<vmem>>, vector<16xf32>,
    tpu.vector_store %arg9[%swap3A_85], %get3A_3 {strides = array<i32>} : memref<4096xf32, #tpu.memory_space<vmem>>, vector<16xf32>,
    %swap3A_87 = arith.constant 448 : index
    %swap3A_88 = tpu.vector_load %arg9[%swap3A_87] {strides = array<i32>} : memref<4096xf32, #tpu.memory_space<vmem>>, vector<16xf32>,
    tpu.vector_store %arg9[%swap3A_87], %get3A_3 {strides = array<i32>} : memref<4096xf32, #tpu.memory_space<vmem>>, vector<16xf32>,
    %swap3A_89 = arith.constant 464 : index
    %swap3A_90 = tpu.vector_load %arg9[%swap3A_89] {strides = array<i32>} : memref<4096xf32, #tpu.memory_space<vmem>>, vector<16xf32>,
    tpu.vector_store %arg9[%swap3A_89], %get3A_3 {strides = array<i32>} : memref<4096xf32, #tpu.memory_space<vmem>>, vector<16xf32>,
    %swap3A_91 = arith.constant 480 : index
    %swap3A_92 = tpu.vector_load %arg9[%swap3A_91] {strides = array<i32>} : memref<4096xf32, #tpu.memory_space<vmem>>, vector<16xf32>,
    tpu.vector_store %arg9[%swap3A_91], %get3A_3 {strides = array<i32>} : memref<4096xf32, #tpu.memory_space<vmem>>, vector<16xf32>,
    %swap3A_93 = arith.constant 496 : index
    %swap3A_94 = tpu.vector_load %arg9[%swap3A_93] {strides = array<i32>} : memref<4096xf32, #tpu.memory_space<vmem>>, vector<16xf32>,
    tpu.vector_store %arg9[%swap3A_93], %get3A_3 {strides = array<i32>} : memref<4096xf32, #tpu.memory_space<vmem>>, vector<16xf32>,
    %swap3A_95 = arith.constant 512 : index
    %swap3A_96 = tpu.vector_load %arg9[%swap3A_95] {strides = array<i32>} : memref<4096xf32, #tpu.memory_space<vmem>>, vector<16xf32>,
    tpu.vector_store %arg9[%swap3A_95], %get3A_3 {strides = array<i32>} : memref<4096xf32, #tpu.memory_space<vmem>>, vector<16xf32>,
    %swap3A_97 = arith.constant 528 : index
    %swap3A_98 = tpu.vector_load %arg9[%swap3A_97] {strides = array<i32>} : memref<4096xf32, #tpu.memory_space<vmem>>, vector<16xf32>,
    tpu.vector_store %arg9[%swap3A_97], %get3A_3 {strides = array<i32>} : memref<4096xf32, #tpu.memory_space<vmem>>, vector<16xf32>,
    %swap3A_99 = arith.constant 544 : index
    %swap3A_100 = tpu.vector_load %arg9[%swap3A_99] {strides = array<i32>} : memref<4096xf32, #tpu.memory_space<vmem>>, vector<16xf32>,
    tpu.vector_store %arg9[%swap3A_99], %get3A_3 {strides = array<i32>} : memref<4096xf32, #tpu.memory_space<vmem>>, vector<16xf32>,
    %swap3A_101 = arith.constant 560 : index
    %swap3A_102 = tpu.vector_load %arg9[%swap3A_101] {strides = array<i32>} : memref<4096xf32, #tpu.memory_space<vmem>>, vector<16xf32>,
    tpu.vector_store %arg9[%swap3A_101], %get3A_3 {strides = array<i32>} : memref<4096xf32, #tpu.memory_space<vmem>>, vector<16xf32>,
    %swap3A_103 = arith.constant 576 : index
    %swap3A_104 = tpu.vector_load %arg9[%swap3A_103] {strides = array<i32>} : memref<4096xf32, #tpu.memory_space<vmem>>, vector<16xf32>,
    tpu.vector_store %arg9[%swap3A_103], %get3A_3 {strides = array<i32>} : memref<4096xf32, #tpu.memory_space<vmem>>, vector<16xf32>,
    %swap3A_105 = arith.constant 592 : index
    %swap3A_106 = tpu.vector_load %arg9[%swap3A_105] {strides = array<i32>} : memref<4096xf32, #tpu.memory_space<vmem>>, vector<16xf32>,
    tpu.vector_store %arg9[%swap3A_105], %get3A_3 {strides = array<i32>} : memref<4096xf32, #tpu.memory_space<vmem>>, vector<16xf32>,
    %swap3A_107 = arith.constant 608 : index
    %swap3A_108 = tpu.vector_load %arg9[%swap3A_107] {strides = array<i32>} : memref<4096xf32, #tpu.memory_space<vmem>>, vector<16xf32>,
    tpu.vector_store %arg9[%swap3A_107], %get3A_3 {strides = array<i32>} : memref<4096xf32, #tpu.memory_space<vmem>>, vector<16xf32>,
    %swap3A_109 = arith.constant 624 : index
    %swap3A_110 = tpu.vector_load %arg9[%swap3A_109] {strides = array<i32>} : memref<4096xf32, #tpu.memory_space<vmem>>, vector<16xf32>,
    tpu.vector_store %arg9[%swap3A_109], %get3A_3 {strides = array<i32>} : memref<4096xf32, #tpu.memory_space<vmem>>, vector<16xf32>,
    %swap3A_111 = arith.constant 640 : index
    %swap3A_112 = tpu.vector_load %arg9[%swap3A_111] {strides = array<i32>} : memref<4096xf32, #tpu.memory_space<vmem>>, vector<16xf32>,
    tpu.vector_store %arg9[%swap3A_111], %get3A_3 {strides = array<i32>} : memref<4096xf32, #tpu.memory_space<vmem>>, vector<16xf32>,
    %swap3A_113 = arith.constant 656 : index
    %swap3A_114 = tpu.vector_load %arg9[%swap3A_113] {strides = array<i32>} : memref<4096xf32, #tpu.memory_space<vmem>>, vector<16xf32>,
    tpu.vector_store %arg9[%swap3A_113], %get3A_3 {strides = array<i32>} : memref<4096xf32, #tpu.memory_space<vmem>>, vector<16xf32>,
    %swap3A_115 = arith.constant 672 : index
    %swap3A_116 = tpu.vector_load %arg9[%swap3A_115] {strides = array<i32>} : memref<4096xf32, #tpu.memory_space<vmem>>, vector<16xf32>,
    tpu.vector_store %arg9[%swap3A_115], %get3A_3 {strides = array<i32>} : memref<4096xf32, #tpu.memory_space<vmem>>, vector<16xf32>,
    %swap3A_117 = arith.constant 688 : index
    %swap3A_118 = tpu.vector_load %arg9[%swap3A_117] {strides = array<i32>} : memref<4096xf32, #tpu.memory_space<vmem>>, vector<16xf32>,
    tpu.vector_store %arg9[%swap3A_117], %get3A_3 {strides = array<i32>} : memref<4096xf32, #tpu.memory_space<vmem>>, vector<16xf32>,
    %swap3A_119 = arith.constant 704 : index
    %swap3A_120 = tpu.vector_load %arg9[%swap3A_119] {strides = array<i32>} : memref<4096xf32, #tpu.memory_space<vmem>>, vector<16xf32>,
    tpu.vector_store %arg9[%swap3A_119], %get3A_3 {strides = array<i32>} : memref<4096xf32, #tpu.memory_space<vmem>>, vector<16xf32>,
    %swap3A_121 = arith.constant 720 : index
    %swap3A_122 = tpu.vector_load %arg9[%swap3A_121] {strides = array<i32>} : memref<4096xf32, #tpu.memory_space<vmem>>, vector<16xf32>,
    tpu.vector_store %arg9[%swap3A_121], %get3A_3 {strides = array<i32>} : memref<4096xf32, #tpu.memory_space<vmem>>, vector<16xf32>,
    %swap3A_123 = arith.constant 736 : index
    %swap3A_124 = tpu.vector_load %arg9[%swap3A_123] {strides = array<i32>} : memref<4096xf32, #tpu.memory_space<vmem>>, vector<16xf32>,
    tpu.vector_store %arg9[%swap3A_123], %get3A_3 {strides = array<i32>} : memref<4096xf32, #tpu.memory_space<vmem>>, vector<16xf32>,
    %swap3A_125 = arith.constant 752 : index
    %swap3A_126 = tpu.vector_load %arg9[%swap3A_125] {strides = array<i32>} : memref<4096xf32, #tpu.memory_space<vmem>>, vector<16xf32>,
    tpu.vector_store %arg9[%swap3A_125], %get3A_3 {strides = array<i32>} : memref<4096xf32, #tpu.memory_space<vmem>>, vector<16xf32>,
    %swap3A_127 = arith.constant 768 : index
    %swap3A_128 = tpu.vector_load %arg9[%swap3A_127] {strides = array<i32>} : memref<4096xf32, #tpu.memory_space<vmem>>, vector<16xf32>,
    tpu.vector_store %arg9[%swap3A_127], %get3A_3 {strides = array<i32>} : memref<4096xf32, #tpu.memory_space<vmem>>, vector<16xf32>,
    %swap3A_129 = arith.constant 784 : index
    %swap3A_130 = tpu.vector_load %arg9[%swap3A_129] {strides = array<i32>} : memref<4096xf32, #tpu.memory_space<vmem>>, vector<16xf32>,
    tpu.vector_store %arg9[%swap3A_129], %get3A_3 {strides = array<i32>} : memref<4096xf32, #tpu.memory_space<vmem>>, vector<16xf32>,
    %swap3A_131 = arith.constant 800 : index
    %swap3A_132 = tpu.vector_load %arg9[%swap3A_131] {strides = array<i32>} : memref<4096xf32, #tpu.memory_space<vmem>>, vector<16xf32>,
    tpu.vector_store %arg9[%swap3A_131], %get3A_3 {strides = array<i32>} : memref<4096xf32, #tpu.memory_space<vmem>>, vector<16xf32>,
    %swap3A_133 = arith.constant 816 : index
    %swap3A_134 = tpu.vector_load %arg9[%swap3A_133] {strides = array<i32>} : memref<4096xf32, #tpu.memory_space<vmem>>, vector<16xf32>,
    tpu.vector_store %arg9[%swap3A_133], %get3A_3 {strides = array<i32>} : memref<4096xf32, #tpu.memory_space<vmem>>, vector<16xf32>,
    %swap3A_135 = arith.constant 832 : index
    %swap3A_136 = tpu.vector_load %arg9[%swap3A_135] {strides = array<i32>} : memref<4096xf32, #tpu.memory_space<vmem>>, vector<16xf32>,
    tpu.vector_store %arg9[%swap3A_135], %get3A_3 {strides = array<i32>} : memref<4096xf32, #tpu.memory_space<vmem>>, vector<16xf32>,
    %swap3A_137 = arith.constant 848 : index
    %swap3A_138 = tpu.vector_load %arg9[%swap3A_137] {strides = array<i32>} : memref<4096xf32, #tpu.memory_space<vmem>>, vector<16xf32>,
    tpu.vector_store %arg9[%swap3A_137], %get3A_3 {strides = array<i32>} : memref<4096xf32, #tpu.memory_space<vmem>>, vector<16xf32>,
    %swap3A_139 = arith.constant 864 : index
    %swap3A_140 = tpu.vector_load %arg9[%swap3A_139] {strides = array<i32>} : memref<4096xf32, #tpu.memory_space<vmem>>, vector<16xf32>,
    tpu.vector_store %arg9[%swap3A_139], %get3A_3 {strides = array<i32>} : memref<4096xf32, #tpu.memory_space<vmem>>, vector<16xf32>,
    %swap3A_141 = arith.constant 880 : index
    %swap3A_142 = tpu.vector_load %arg9[%swap3A_141] {strides = array<i32>} : memref<4096xf32, #tpu.memory_space<vmem>>, vector<16xf32>,
    tpu.vector_store %arg9[%swap3A_141], %get3A_3 {strides = array<i32>} : memref<4096xf32, #tpu.memory_space<vmem>>, vector<16xf32>,
    %swap3A_143 = arith.constant 896 : index
    %swap3A_144 = tpu.vector_load %arg9[%swap3A_143] {strides = array<i32>} : memref<4096xf32, #tpu.memory_space<vmem>>, vector<16xf32>,
    tpu.vector_store %arg9[%swap3A_143], %get3A_3 {strides = array<i32>} : memref<4096xf32, #tpu.memory_space<vmem>>, vector<16xf32>,
    %swap3A_145 = arith.constant 912 : index
    %swap3A_146 = tpu.vector_load %arg9[%swap3A_145] {strides = array<i32>} : memref<4096xf32, #tpu.memory_space<vmem>>, vector<16xf32>,
    tpu.vector_store %arg9[%swap3A_145], %get3A_3 {strides = array<i32>} : memref<4096xf32, #tpu.memory_space<vmem>>, vector<16xf32>,
    %swap3A_147 = arith.constant 928 : index
    %swap3A_148 = tpu.vector_load %arg9[%swap3A_147] {strides = array<i32>} : memref<4096xf32, #tpu.memory_space<vmem>>, vector<16xf32>,
    tpu.vector_store %arg9[%swap3A_147], %get3A_3 {strides = array<i32>} : memref<4096xf32, #tpu.memory_space<vmem>>, vector<16xf32>,
    %swap3A_149 = arith.constant 944 : index
    %swap3A_150 = tpu.vector_load %arg9[%swap3A_149] {strides = array<i32>} : memref<4096xf32, #tpu.memory_space<vmem>>, vector<16xf32>,
    tpu.vector_store %arg9[%swap3A_149], %get3A_3 {strides = array<i32>} : memref<4096xf32, #tpu.memory_space<vmem>>, vector<16xf32>,
    %swap3A_151 = arith.constant 960 : index
    %swap3A_152 = tpu.vector_load %arg9[%swap3A_151] {strides = array<i32>} : memref<4096xf32, #tpu.memory_space<vmem>>, vector<16xf32>,
    tpu.vector_store %arg9[%swap3A_151], %get3A_3 {strides = array<i32>} : memref<4096xf32, #tpu.memory_space<vmem>>, vector<16xf32>,
    %swap3A_153 = arith.constant 976 : index
    %swap3A_154 = tpu.vector_load %arg9[%swap3A_153] {strides = array<i32>} : memref<4096xf32, #tpu.memory_space<vmem>>, vector<16xf32>,
    tpu.vector_store %arg9[%swap3A_153], %get3A_3 {strides = array<i32>} : memref<4096xf32, #tpu.memory_space<vmem>>, vector<16xf32>,
    %swap3A_155 = arith.constant 992 : index
    %swap3A_156 = tpu.vector_load %arg9[%swap3A_155] {strides = array<i32>} : memref<4096xf32, #tpu.memory_space<vmem>>, vector<16xf32>,
    tpu.vector_store %arg9[%swap3A_155], %get3A_3 {strides = array<i32>} : memref<4096xf32, #tpu.memory_space<vmem>>, vector<16xf32>,
    %swap3A_157 = arith.constant 1008 : index
    %swap3A_158 = tpu.vector_load %arg9[%swap3A_157] {strides = array<i32>} : memref<4096xf32, #tpu.memory_space<vmem>>, vector<16xf32>,
    tpu.vector_store %arg9[%swap3A_157], %get3A_3 {strides = array<i32>} : memref<4096xf32, #tpu.memory_space<vmem>>, vector<16xf32>,
    %swap3A_159 = arith.constant 1024 : index
    %swap3A_160 = tpu.vector_load %arg9[%swap3A_159] {strides = array<i32>} : memref<4096xf32, #tpu.memory_space<vmem>>, vector<16xf32>,
    tpu.vector_store %arg9[%swap3A_159], %get3A_3 {strides = array<i32>} : memref<4096xf32, #tpu.memory_space<vmem>>, vector<16xf32>,
    %swap3A_161 = arith.constant 1040 : index
    %swap3A_162 = tpu.vector_load %arg9[%swap3A_161] {strides = array<i32>} : memref<4096xf32, #tpu.memory_space<vmem>>, vector<16xf32>,
    tpu.vector_store %arg9[%swap3A_161], %get3A_3 {strides = array<i32>} : memref<4096xf32, #tpu.memory_space<vmem>>, vector<16xf32>,
    %swap3A_163 = arith.constant 1056 : index
    %swap3A_164 = tpu.vector_load %arg9[%swap3A_163] {strides = array<i32>} : memref<4096xf32, #tpu.memory_space<vmem>>, vector<16xf32>,
    tpu.vector_store %arg9[%swap3A_163], %get3A_3 {strides = array<i32>} : memref<4096xf32, #tpu.memory_space<vmem>>, vector<16xf32>,
    %swap3A_165 = arith.constant 1072 : index
    %swap3A_166 = tpu.vector_load %arg9[%swap3A_165] {strides = array<i32>} : memref<4096xf32, #tpu.memory_space<vmem>>, vector<16xf32>,
    tpu.vector_store %arg9[%swap3A_165], %get3A_3 {strides = array<i32>} : memref<4096xf32, #tpu.memory_space<vmem>>, vector<16xf32>,
    %swap3A_167 = arith.constant 1088 : index
    %swap3A_168 = tpu.vector_load %arg9[%swap3A_167] {strides = array<i32>} : memref<4096xf32, #tpu.memory_space<vmem>>, vector<16xf32>,
    tpu.vector_store %arg9[%swap3A_167], %get3A_3 {strides = array<i32>} : memref<4096xf32, #tpu.memory_space<vmem>>, vector<16xf32>,
    %swap3A_169 = arith.constant 1104 : index
    %swap3A_170 = tpu.vector_load %arg9[%swap3A_169] {strides = array<i32>} : memref<4096xf32, #tpu.memory_space<vmem>>, vector<16xf32>,
    tpu.vector_store %arg9[%swap3A_169], %get3A_3 {strides = array<i32>} : memref<4096xf32, #tpu.memory_space<vmem>>, vector<16xf32>,
    %swap3A_171 = arith.constant 1120 : index
    %swap3A_172 = tpu.vector_load %arg9[%swap3A_171] {strides = array<i32>} : memref<4096xf32, #tpu.memory_space<vmem>>, vector<16xf32>,
    tpu.vector_store %arg9[%swap3A_171], %get3A_3 {strides = array<i32>} : memref<4096xf32, #tpu.memory_space<vmem>>, vector<16xf32>,
    %swap3A_173 = arith.constant 1136 : index
    %swap3A_174 = tpu.vector_load %arg9[%swap3A_173] {strides = array<i32>} : memref<4096xf32, #tpu.memory_space<vmem>>, vector<16xf32>,
    tpu.vector_store %arg9[%swap3A_173], %get3A_3 {strides = array<i32>} : memref<4096xf32, #tpu.memory_space<vmem>>, vector<16xf32>,
    %swap3A_175 = arith.constant 1152 : index
    %swap3A_176 = tpu.vector_load %arg9[%swap3A_175] {strides = array<i32>} : memref<4096xf32, #tpu.memory_space<vmem>>, vector<16xf32>,
    tpu.vector_store %arg9[%swap3A_175], %get3A_3 {strides = array<i32>} : memref<4096xf32, #tpu.memory_space<vmem>>, vector<16xf32>,
    %swap3A_177 = arith.constant 1168 : index
    %swap3A_178 = tpu.vector_load %arg9[%swap3A_177] {strides = array<i32>} : memref<4096xf32, #tpu.memory_space<vmem>>, vector<16xf32>,
    tpu.vector_store %arg9[%swap3A_177], %get3A_3 {strides = array<i32>} : memref<4096xf32, #tpu.memory_space<vmem>>, vector<16xf32>,
    %swap3A_179 = arith.constant 1184 : index
    %swap3A_180 = tpu.vector_load %arg9[%swap3A_179] {strides = array<i32>} : memref<4096xf32, #tpu.memory_space<vmem>>, vector<16xf32>,
    tpu.vector_store %arg9[%swap3A_179], %get3A_3 {strides = array<i32>} : memref<4096xf32, #tpu.memory_space<vmem>>, vector<16xf32>,
    %swap3A_181 = arith.constant 1200 : index
    %swap3A_182 = tpu.vector_load %arg9[%swap3A_181] {strides = array<i32>} : memref<4096xf32, #tpu.memory_space<vmem>>, vector<16xf32>,
    tpu.vector_store %arg9[%swap3A_181], %get3A_3 {strides = array<i32>} : memref<4096xf32, #tpu.memory_space<vmem>>, vector<16xf32>,
    %swap3A_183 = arith.constant 1216 : index
    %swap3A_184 = tpu.vector_load %arg9[%swap3A_183] {strides = array<i32>} : memref<4096xf32, #tpu.memory_space<vmem>>, vector<16xf32>,
    tpu.vector_store %arg9[%swap3A_183], %get3A_3 {strides = array<i32>} : memref<4096xf32, #tpu.memory_space<vmem>>, vector<16xf32>,
    %swap3A_185 = arith.constant 1232 : index
    %swap3A_186 = tpu.vector_load %arg9[%swap3A_185] {strides = array<i32>} : memref<4096xf32, #tpu.memory_space<vmem>>, vector<16xf32>,
    tpu.vector_store %arg9[%swap3A_185], %get3A_3 {strides = array<i32>} : memref<4096xf32, #tpu.memory_space<vmem>>, vector<16xf32>,
    %swap3A_187 = arith.constant 1248 : index
    %swap3A_188 = tpu.vector_load %arg9[%swap3A_187] {strides = array<i32>} : memref<4096xf32, #tpu.memory_space<vmem>>, vector<16xf32>,
    tpu.vector_store %arg9[%swap3A_187], %get3A_3 {strides = array<i32>} : memref<4096xf32, #tpu.memory_space<vmem>>, vector<16xf32>,
    %swap3A_189 = arith.constant 1264 : index
    %swap3A_190 = tpu.vector_load %arg9[%swap3A_189] {strides = array<i32>} : memref<4096xf32, #tpu.memory_space<vmem>>, vector<16xf32>,
    tpu.vector_store %arg9[%swap3A_189], %get3A_3 {strides = array<i32>} : memref<4096xf32, #tpu.memory_space<vmem>>, vector<16xf32>,
    %swap3A_191 = arith.constant 1280 : index
    %swap3A_192 = tpu.vector_load %arg9[%swap3A_191] {strides = array<i32>} : memref<4096xf32, #tpu.memory_space<vmem>>, vector<16xf32>,
    tpu.vector_store %arg9[%swap3A_191], %get3A_3 {strides = array<i32>} : memref<4096xf32, #tpu.memory_space<vmem>>, vector<16xf32>,
    %swap3A_193 = arith.constant 1296 : index
    %swap3A_194 = tpu.vector_load %arg9[%swap3A_193] {strides = array<i32>} : memref<4096xf32, #tpu.memory_space<vmem>>, vector<16xf32>,
    tpu.vector_store %arg9[%swap3A_193], %get3A_3 {strides = array<i32>} : memref<4096xf32, #tpu.memory_space<vmem>>, vector<16xf32>,
    %swap3A_195 = arith.constant 1312 : index
    %swap3A_196 = tpu.vector_load %arg9[%swap3A_195] {strides = array<i32>} : memref<4096xf32, #tpu.memory_space<vmem>>, vector<16xf32>,
    tpu.vector_store %arg9[%swap3A_195], %get3A_3 {strides = array<i32>} : memref<4096xf32, #tpu.memory_space<vmem>>, vector<16xf32>,
    %swap3A_197 = arith.constant 1328 : index
    %swap3A_198 = tpu.vector_load %arg9[%swap3A_197] {strides = array<i32>} : memref<4096xf32, #tpu.memory_space<vmem>>, vector<16xf32>,
    tpu.vector_store %arg9[%swap3A_197], %get3A_3 {strides = array<i32>} : memref<4096xf32, #tpu.memory_space<vmem>>, vector<16xf32>,
    %swap3A_199 = arith.constant 1344 : index
    %swap3A_200 = tpu.vector_load %arg9[%swap3A_199] {strides = array<i32>} : memref<4096xf32, #tpu.memory_space<vmem>>, vector<16xf32>,
    tpu.vector_store %arg9[%swap3A_199], %get3A_3 {strides = array<i32>} : memref<4096xf32, #tpu.memory_space<vmem>>, vector<16xf32>,
    %swap3A_201 = arith.constant 1360 : index
    %swap3A_202 = tpu.vector_load %arg9[%swap3A_201] {strides = array<i32>} : memref<4096xf32, #tpu.memory_space<vmem>>, vector<16xf32>,
    tpu.vector_store %arg9[%swap3A_201], %get3A_3 {strides = array<i32>} : memref<4096xf32, #tpu.memory_space<vmem>>, vector<16xf32>,
    %swap3A_203 = arith.constant 1376 : index
    %swap3A_204 = tpu.vector_load %arg9[%swap3A_203] {strides = array<i32>} : memref<4096xf32, #tpu.memory_space<vmem>>, vector<16xf32>,
    tpu.vector_store %arg9[%swap3A_203], %get3A_3 {strides = array<i32>} : memref<4096xf32, #tpu.memory_space<vmem>>, vector<16xf32>,
    %swap3A_205 = arith.constant 1392 : index
    %swap3A_206 = tpu.vector_load %arg9[%swap3A_205] {strides = array<i32>} : memref<4096xf32, #tpu.memory_space<vmem>>, vector<16xf32>,
    tpu.vector_store %arg9[%swap3A_205], %get3A_3 {strides = array<i32>} : memref<4096xf32, #tpu.memory_space<vmem>>, vector<16xf32>,
    %swap3A_207 = arith.constant 1408 : index
    %swap3A_208 = tpu.vector_load %arg9[%swap3A_207] {strides = array<i32>} : memref<4096xf32, #tpu.memory_space<vmem>>, vector<16xf32>,
    tpu.vector_store %arg9[%swap3A_207], %get3A_3 {strides = array<i32>} : memref<4096xf32, #tpu.memory_space<vmem>>, vector<16xf32>,
    %swap3A_209 = arith.constant 1424 : index
    %swap3A_210 = tpu.vector_load %arg9[%swap3A_209] {strides = array<i32>} : memref<4096xf32, #tpu.memory_space<vmem>>, vector<16xf32>,
    tpu.vector_store %arg9[%swap3A_209], %get3A_3 {strides = array<i32>} : memref<4096xf32, #tpu.memory_space<vmem>>, vector<16xf32>,
    %swap3A_211 = arith.constant 1440 : index
    %swap3A_212 = tpu.vector_load %arg9[%swap3A_211] {strides = array<i32>} : memref<4096xf32, #tpu.memory_space<vmem>>, vector<16xf32>,
    tpu.vector_store %arg9[%swap3A_211], %get3A_3 {strides = array<i32>} : memref<4096xf32, #tpu.memory_space<vmem>>, vector<16xf32>,
    %swap3A_213 = arith.constant 1456 : index
    %swap3A_214 = tpu.vector_load %arg9[%swap3A_213] {strides = array<i32>} : memref<4096xf32, #tpu.memory_space<vmem>>, vector<16xf32>,
    tpu.vector_store %arg9[%swap3A_213], %get3A_3 {strides = array<i32>} : memref<4096xf32, #tpu.memory_space<vmem>>, vector<16xf32>,
    %swap3A_215 = arith.constant 1472 : index
    %swap3A_216 = tpu.vector_load %arg9[%swap3A_215] {strides = array<i32>} : memref<4096xf32, #tpu.memory_space<vmem>>, vector<16xf32>,
    tpu.vector_store %arg9[%swap3A_215], %get3A_3 {strides = array<i32>} : memref<4096xf32, #tpu.memory_space<vmem>>, vector<16xf32>,
    %swap3A_217 = arith.constant 1488 : index
    %swap3A_218 = tpu.vector_load %arg9[%swap3A_217] {strides = array<i32>} : memref<4096xf32, #tpu.memory_space<vmem>>, vector<16xf32>,
    tpu.vector_store %arg9[%swap3A_217], %get3A_3 {strides = array<i32>} : memref<4096xf32, #tpu.memory_space<vmem>>, vector<16xf32>,
    %swap3A_219 = arith.constant 1504 : index
    %swap3A_220 = tpu.vector_load %arg9[%swap3A_219] {strides = array<i32>} : memref<4096xf32, #tpu.memory_space<vmem>>, vector<16xf32>,
    tpu.vector_store %arg9[%swap3A_219], %get3A_3 {strides = array<i32>} : memref<4096xf32, #tpu.memory_space<vmem>>, vector<16xf32>,
    %swap3A_221 = arith.constant 1520 : index
    %swap3A_222 = tpu.vector_load %arg9[%swap3A_221] {strides = array<i32>} : memref<4096xf32, #tpu.memory_space<vmem>>, vector<16xf32>,
    tpu.vector_store %arg9[%swap3A_221], %get3A_3 {strides = array<i32>} : memref<4096xf32, #tpu.memory_space<vmem>>, vector<16xf32>,
    %swap3A_223 = arith.constant 1536 : index
    %swap3A_224 = tpu.vector_load %arg9[%swap3A_223] {strides = array<i32>} : memref<4096xf32, #tpu.memory_space<vmem>>, vector<16xf32>,
    tpu.vector_store %arg9[%swap3A_223], %get3A_3 {strides = array<i32>} : memref<4096xf32, #tpu.memory_space<vmem>>, vector<16xf32>,
    %swap3A_225 = arith.constant 1552 : index
    %swap3A_226 = tpu.vector_load %arg9[%swap3A_225] {strides = array<i32>} : memref<4096xf32, #tpu.memory_space<vmem>>, vector<16xf32>,
    tpu.vector_store %arg9[%swap3A_225], %get3A_3 {strides = array<i32>} : memref<4096xf32, #tpu.memory_space<vmem>>, vector<16xf32>,
    %swap3A_227 = arith.constant 1568 : index
    %swap3A_228 = tpu.vector_load %arg9[%swap3A_227] {strides = array<i32>} : memref<4096xf32, #tpu.memory_space<vmem>>, vector<16xf32>,
    tpu.vector_store %arg9[%swap3A_227], %get3A_3 {strides = array<i32>} : memref<4096xf32, #tpu.memory_space<vmem>>, vector<16xf32>,
    %swap3A_229 = arith.constant 1584 : index
    %swap3A_230 = tpu.vector_load %arg9[%swap3A_229] {strides = array<i32>} : memref<4096xf32, #tpu.memory_space<vmem>>, vector<16xf32>,
    tpu.vector_store %arg9[%swap3A_229], %get3A_3 {strides = array<i32>} : memref<4096xf32, #tpu.memory_space<vmem>>, vector<16xf32>,
    %swap3A_231 = arith.constant 1600 : index
    %swap3A_232 = tpu.vector_load %arg9[%swap3A_231] {strides = array<i32>} : memref<4096xf32, #tpu.memory_space<vmem>>, vector<16xf32>,
    tpu.vector_store %arg9[%swap3A_231], %get3A_3 {strides = array<i32>} : memref<4096xf32, #tpu.memory_space<vmem>>, vector<16xf32>,
    %swap3A_233 = arith.constant 1616 : index
    %swap3A_234 = tpu.vector_load %arg9[%swap3A_233] {strides = array<i32>} : memref<4096xf32, #tpu.memory_space<vmem>>, vector<16xf32>,
    tpu.vector_store %arg9[%swap3A_233], %get3A_3 {strides = array<i32>} : memref<4096xf32, #tpu.memory_space<vmem>>, vector<16xf32>,
    %swap3A_235 = arith.constant 1632 : index
    %swap3A_236 = tpu.vector_load %arg9[%swap3A_235] {strides = array<i32>} : memref<4096xf32, #tpu.memory_space<vmem>>, vector<16xf32>,
    tpu.vector_store %arg9[%swap3A_235], %get3A_3 {strides = array<i32>} : memref<4096xf32, #tpu.memory_space<vmem>>, vector<16xf32>,
    %swap3A_237 = arith.constant 1648 : index
    %swap3A_238 = tpu.vector_load %arg9[%swap3A_237] {strides = array<i32>} : memref<4096xf32, #tpu.memory_space<vmem>>, vector<16xf32>,
    tpu.vector_store %arg9[%swap3A_237], %get3A_3 {strides = array<i32>} : memref<4096xf32, #tpu.memory_space<vmem>>, vector<16xf32>,
    %swap3A_239 = arith.constant 1664 : index
    %swap3A_240 = tpu.vector_load %arg9[%swap3A_239] {strides = array<i32>} : memref<4096xf32, #tpu.memory_space<vmem>>, vector<16xf32>,
    tpu.vector_store %arg9[%swap3A_239], %get3A_3 {strides = array<i32>} : memref<4096xf32, #tpu.memory_space<vmem>>, vector<16xf32>,
    %swap3A_241 = arith.constant 1680 : index
    %swap3A_242 = tpu.vector_load %arg9[%swap3A_241] {strides = array<i32>} : memref<4096xf32, #tpu.memory_space<vmem>>, vector<16xf32>,
    tpu.vector_store %arg9[%swap3A_241], %get3A_3 {strides = array<i32>} : memref<4096xf32, #tpu.memory_space<vmem>>, vector<16xf32>,
    %swap3A_243 = arith.constant 1696 : index
    %swap3A_244 = tpu.vector_load %arg9[%swap3A_243] {strides = array<i32>} : memref<4096xf32, #tpu.memory_space<vmem>>, vector<16xf32>,
    tpu.vector_store %arg9[%swap3A_243], %get3A_3 {strides = array<i32>} : memref<4096xf32, #tpu.memory_space<vmem>>, vector<16xf32>,
    %swap3A_245 = arith.constant 1712 : index
    %swap3A_246 = tpu.vector_load %arg9[%swap3A_245] {strides = array<i32>} : memref<4096xf32, #tpu.memory_space<vmem>>, vector<16xf32>,
    tpu.vector_store %arg9[%swap3A_245], %get3A_3 {strides = array<i32>} : memref<4096xf32, #tpu.memory_space<vmem>>, vector<16xf32>,
    %swap3A_247 = arith.constant 1728 : index
    %swap3A_248 = tpu.vector_load %arg9[%swap3A_247] {strides = array<i32>} : memref<4096xf32, #tpu.memory_space<vmem>>, vector<16xf32>,
    tpu.vector_store %arg9[%swap3A_247], %get3A_3 {strides = array<i32>} : memref<4096xf32, #tpu.memory_space<vmem>>, vector<16xf32>,
    %swap3A_249 = arith.constant 1744 : index
    %swap3A_250 = tpu.vector_load %arg9[%swap3A_249] {strides = array<i32>} : memref<4096xf32, #tpu.memory_space<vmem>>, vector<16xf32>,
    tpu.vector_store %arg9[%swap3A_249], %get3A_3 {strides = array<i32>} : memref<4096xf32, #tpu.memory_space<vmem>>, vector<16xf32>,
    %swap3A_251 = arith.constant 1760 : index
    %swap3A_252 = tpu.vector_load %arg9[%swap3A_251] {strides = array<i32>} : memref<4096xf32, #tpu.memory_space<vmem>>, vector<16xf32>,
    tpu.vector_store %arg9[%swap3A_251], %get3A_3 {strides = array<i32>} : memref<4096xf32, #tpu.memory_space<vmem>>, vector<16xf32>,
    %swap3A_253 = arith.constant 1776 : index
    %swap3A_254 = tpu.vector_load %arg9[%swap3A_253] {strides = array<i32>} : memref<4096xf32, #tpu.memory_space<vmem>>, vector<16xf32>,
    tpu.vector_store %arg9[%swap3A_253], %get3A_3 {strides = array<i32>} : memref<4096xf32, #tpu.memory_space<vmem>>, vector<16xf32>,
    %swap3A_255 = arith.constant 1792 : index
    %swap3A_256 = tpu.vector_load %arg9[%swap3A_255] {strides = array<i32>} : memref<4096xf32, #tpu.memory_space<vmem>>, vector<16xf32>,
    tpu.vector_store %arg9[%swap3A_255], %get3A_3 {strides = array<i32>} : memref<4096xf32, #tpu.memory_space<vmem>>, vector<16xf32>,
    %swap3A_257 = arith.constant 1808 : index
    %swap3A_258 = tpu.vector_load %arg9[%swap3A_257] {strides = array<i32>} : memref<4096xf32, #tpu.memory_space<vmem>>, vector<16xf32>,
    tpu.vector_store %arg9[%swap3A_257], %get3A_3 {strides = array<i32>} : memref<4096xf32, #tpu.memory_space<vmem>>, vector<16xf32>,
    %swap3A_259 = arith.constant 1824 : index
    %swap3A_260 = tpu.vector_load %arg9[%swap3A_259] {strides = array<i32>} : memref<4096xf32, #tpu.memory_space<vmem>>, vector<16xf32>,
    tpu.vector_store %arg9[%swap3A_259], %get3A_3 {strides = array<i32>} : memref<4096xf32, #tpu.memory_space<vmem>>, vector<16xf32>,
    %swap3A_261 = arith.constant 1840 : index
    %swap3A_262 = tpu.vector_load %arg9[%swap3A_261] {strides = array<i32>} : memref<4096xf32, #tpu.memory_space<vmem>>, vector<16xf32>,
    tpu.vector_store %arg9[%swap3A_261], %get3A_3 {strides = array<i32>} : memref<4096xf32, #tpu.memory_space<vmem>>, vector<16xf32>,
    %swap3A_263 = arith.constant 1856 : index
    %swap3A_264 = tpu.vector_load %arg9[%swap3A_263] {strides = array<i32>} : memref<4096xf32, #tpu.memory_space<vmem>>, vector<16xf32>,
    tpu.vector_store %arg9[%swap3A_263], %get3A_3 {strides = array<i32>} : memref<4096xf32, #tpu.memory_space<vmem>>, vector<16xf32>,
    %swap3A_265 = arith.constant 1872 : index
    %swap3A_266 = tpu.vector_load %arg9[%swap3A_265] {strides = array<i32>} : memref<4096xf32, #tpu.memory_space<vmem>>, vector<16xf32>,
    tpu.vector_store %arg9[%swap3A_265], %get3A_3 {strides = array<i32>} : memref<4096xf32, #tpu.memory_space<vmem>>, vector<16xf32>,
    %swap3A_267 = arith.constant 1888 : index
    %swap3A_268 = tpu.vector_load %arg9[%swap3A_267] {strides = array<i32>} : memref<4096xf32, #tpu.memory_space<vmem>>, vector<16xf32>,
    tpu.vector_store %arg9[%swap3A_267], %get3A_3 {strides = array<i32>} : memref<4096xf32, #tpu.memory_space<vmem>>, vector<16xf32>,
    %swap3A_269 = arith.constant 1904 : index
    %swap3A_270 = tpu.vector_load %arg9[%swap3A_269] {strides = array<i32>} : memref<4096xf32, #tpu.memory_space<vmem>>, vector<16xf32>,
    tpu.vector_store %arg9[%swap3A_269], %get3A_3 {strides = array<i32>} : memref<4096xf32, #tpu.memory_space<vmem>>, vector<16xf32>,
    %swap3A_271 = arith.constant 1920 : index
    %swap3A_272 = tpu.vector_load %arg9[%swap3A_271] {strides = array<i32>} : memref<4096xf32, #tpu.memory_space<vmem>>, vector<16xf32>,
    tpu.vector_store %arg9[%swap3A_271], %get3A_3 {strides = array<i32>} : memref<4096xf32, #tpu.memory_space<vmem>>, vector<16xf32>,
    %swap3A_273 = arith.constant 1936 : index
    %swap3A_274 = tpu.vector_load %arg9[%swap3A_273] {strides = array<i32>} : memref<4096xf32, #tpu.memory_space<vmem>>, vector<16xf32>,
    tpu.vector_store %arg9[%swap3A_273], %get3A_3 {strides = array<i32>} : memref<4096xf32, #tpu.memory_space<vmem>>, vector<16xf32>,
    %swap3A_275 = arith.constant 1952 : index
    %swap3A_276 = tpu.vector_load %arg9[%swap3A_275] {strides = array<i32>} : memref<4096xf32, #tpu.memory_space<vmem>>, vector<16xf32>,
    tpu.vector_store %arg9[%swap3A_275], %get3A_3 {strides = array<i32>} : memref<4096xf32, #tpu.memory_space<vmem>>, vector<16xf32>,
    %swap3A_277 = arith.constant 1968 : index
    %swap3A_278 = tpu.vector_load %arg9[%swap3A_277] {strides = array<i32>} : memref<4096xf32, #tpu.memory_space<vmem>>, vector<16xf32>,
    tpu.vector_store %arg9[%swap3A_277], %get3A_3 {strides = array<i32>} : memref<4096xf32, #tpu.memory_space<vmem>>, vector<16xf32>,
    %swap3A_279 = arith.constant 1984 : index
    %swap3A_280 = tpu.vector_load %arg9[%swap3A_279] {strides = array<i32>} : memref<4096xf32, #tpu.memory_space<vmem>>, vector<16xf32>,
    tpu.vector_store %arg9[%swap3A_279], %get3A_3 {strides = array<i32>} : memref<4096xf32, #tpu.memory_space<vmem>>, vector<16xf32>,
    %swap3A_281 = arith.constant 2000 : index
    %swap3A_282 = tpu.vector_load %arg9[%swap3A_281] {strides = array<i32>} : memref<4096xf32, #tpu.memory_space<vmem>>, vector<16xf32>,
    tpu.vector_store %arg9[%swap3A_281], %get3A_3 {strides = array<i32>} : memref<4096xf32, #tpu.memory_space<vmem>>, vector<16xf32>,
    %swap3A_283 = arith.constant 2016 : index
    %swap3A_284 = tpu.vector_load %arg9[%swap3A_283] {strides = array<i32>} : memref<4096xf32, #tpu.memory_space<vmem>>, vector<16xf32>,
    tpu.vector_store %arg9[%swap3A_283], %get3A_3 {strides = array<i32>} : memref<4096xf32, #tpu.memory_space<vmem>>, vector<16xf32>,
    %swap3A_285 = arith.constant 2032 : index
    %swap3A_286 = tpu.vector_load %arg9[%swap3A_285] {strides = array<i32>} : memref<4096xf32, #tpu.memory_space<vmem>>, vector<16xf32>,
    tpu.vector_store %arg9[%swap3A_285], %get3A_3 {strides = array<i32>} : memref<4096xf32, #tpu.memory_space<vmem>>, vector<16xf32>,
    %swap3A_287 = arith.constant 2048 : index
    %swap3A_288 = tpu.vector_load %arg9[%swap3A_287] {strides = array<i32>} : memref<4096xf32, #tpu.memory_space<vmem>>, vector<16xf32>,
    tpu.vector_store %arg9[%swap3A_287], %get3A_3 {strides = array<i32>} : memref<4096xf32, #tpu.memory_space<vmem>>, vector<16xf32>,
    %swap3A_289 = arith.constant 2064 : index
    %swap3A_290 = tpu.vector_load %arg9[%swap3A_289] {strides = array<i32>} : memref<4096xf32, #tpu.memory_space<vmem>>, vector<16xf32>,
    tpu.vector_store %arg9[%swap3A_289], %get3A_3 {strides = array<i32>} : memref<4096xf32, #tpu.memory_space<vmem>>, vector<16xf32>,
    %swap3A_291 = arith.constant 2080 : index
    %swap3A_292 = tpu.vector_load %arg9[%swap3A_291] {strides = array<i32>} : memref<4096xf32, #tpu.memory_space<vmem>>, vector<16xf32>,
    tpu.vector_store %arg9[%swap3A_291], %get3A_3 {strides = array<i32>} : memref<4096xf32, #tpu.memory_space<vmem>>, vector<16xf32>,
    %swap3A_293 = arith.constant 2096 : index
    %swap3A_294 = tpu.vector_load %arg9[%swap3A_293] {strides = array<i32>} : memref<4096xf32, #tpu.memory_space<vmem>>, vector<16xf32>,
    tpu.vector_store %arg9[%swap3A_293], %get3A_3 {strides = array<i32>} : memref<4096xf32, #tpu.memory_space<vmem>>, vector<16xf32>,
    %swap3A_295 = arith.constant 2112 : index
    %swap3A_296 = tpu.vector_load %arg9[%swap3A_295] {strides = array<i32>} : memref<4096xf32, #tpu.memory_space<vmem>>, vector<16xf32>,
    tpu.vector_store %arg9[%swap3A_295], %get3A_3 {strides = array<i32>} : memref<4096xf32, #tpu.memory_space<vmem>>, vector<16xf32>,
    %swap3A_297 = arith.constant 2128 : index
    %swap3A_298 = tpu.vector_load %arg9[%swap3A_297] {strides = array<i32>} : memref<4096xf32, #tpu.memory_space<vmem>>, vector<16xf32>,
    tpu.vector_store %arg9[%swap3A_297], %get3A_3 {strides = array<i32>} : memref<4096xf32, #tpu.memory_space<vmem>>, vector<16xf32>,
    %swap3A_299 = arith.constant 2144 : index
    %swap3A_300 = tpu.vector_load %arg9[%swap3A_299] {strides = array<i32>} : memref<4096xf32, #tpu.memory_space<vmem>>, vector<16xf32>,
    tpu.vector_store %arg9[%swap3A_299], %get3A_3 {strides = array<i32>} : memref<4096xf32, #tpu.memory_space<vmem>>, vector<16xf32>,
    %swap3A_301 = arith.constant 2160 : index
    %swap3A_302 = tpu.vector_load %arg9[%swap3A_301] {strides = array<i32>} : memref<4096xf32, #tpu.memory_space<vmem>>, vector<16xf32>,
    tpu.vector_store %arg9[%swap3A_301], %get3A_3 {strides = array<i32>} : memref<4096xf32, #tpu.memory_space<vmem>>, vector<16xf32>,
    %swap3A_303 = arith.constant 2176 : index
    %swap3A_304 = tpu.vector_load %arg9[%swap3A_303] {strides = array<i32>} : memref<4096xf32, #tpu.memory_space<vmem>>, vector<16xf32>,
    tpu.vector_store %arg9[%swap3A_303], %get3A_3 {strides = array<i32>} : memref<4096xf32, #tpu.memory_space<vmem>>, vector<16xf32>,
    %swap3A_305 = arith.constant 2192 : index
    %swap3A_306 = tpu.vector_load %arg9[%swap3A_305] {strides = array<i32>} : memref<4096xf32, #tpu.memory_space<vmem>>, vector<16xf32>,
    tpu.vector_store %arg9[%swap3A_305], %get3A_3 {strides = array<i32>} : memref<4096xf32, #tpu.memory_space<vmem>>, vector<16xf32>,
    %swap3A_307 = arith.constant 2208 : index
    %swap3A_308 = tpu.vector_load %arg9[%swap3A_307] {strides = array<i32>} : memref<4096xf32, #tpu.memory_space<vmem>>, vector<16xf32>,
    tpu.vector_store %arg9[%swap3A_307], %get3A_3 {strides = array<i32>} : memref<4096xf32, #tpu.memory_space<vmem>>, vector<16xf32>,
    %swap3A_309 = arith.constant 2224 : index
    %swap3A_310 = tpu.vector_load %arg9[%swap3A_309] {strides = array<i32>} : memref<4096xf32, #tpu.memory_space<vmem>>, vector<16xf32>,
    tpu.vector_store %arg9[%swap3A_309], %get3A_3 {strides = array<i32>} : memref<4096xf32, #tpu.memory_space<vmem>>, vector<16xf32>,
    %swap3A_311 = arith.constant 2240 : index
    %swap3A_312 = tpu.vector_load %arg9[%swap3A_311] {strides = array<i32>} : memref<4096xf32, #tpu.memory_space<vmem>>, vector<16xf32>,
    tpu.vector_store %arg9[%swap3A_311], %get3A_3 {strides = array<i32>} : memref<4096xf32, #tpu.memory_space<vmem>>, vector<16xf32>,
    %swap3A_313 = arith.constant 2256 : index
    %swap3A_314 = tpu.vector_load %arg9[%swap3A_313] {strides = array<i32>} : memref<4096xf32, #tpu.memory_space<vmem>>, vector<16xf32>,
    tpu.vector_store %arg9[%swap3A_313], %get3A_3 {strides = array<i32>} : memref<4096xf32, #tpu.memory_space<vmem>>, vector<16xf32>,
    %swap3A_315 = arith.constant 2272 : index
    %swap3A_316 = tpu.vector_load %arg9[%swap3A_315] {strides = array<i32>} : memref<4096xf32, #tpu.memory_space<vmem>>, vector<16xf32>,
    tpu.vector_store %arg9[%swap3A_315], %get3A_3 {strides = array<i32>} : memref<4096xf32, #tpu.memory_space<vmem>>, vector<16xf32>,
    %swap3A_317 = arith.constant 2288 : index
    %swap3A_318 = tpu.vector_load %arg9[%swap3A_317] {strides = array<i32>} : memref<4096xf32, #tpu.memory_space<vmem>>, vector<16xf32>,
    tpu.vector_store %arg9[%swap3A_317], %get3A_3 {strides = array<i32>} : memref<4096xf32, #tpu.memory_space<vmem>>, vector<16xf32>,
    %swap3A_319 = arith.constant 2304 : index
    %swap3A_320 = tpu.vector_load %arg9[%swap3A_319] {strides = array<i32>} : memref<4096xf32, #tpu.memory_space<vmem>>, vector<16xf32>,
    tpu.vector_store %arg9[%swap3A_319], %get3A_3 {strides = array<i32>} : memref<4096xf32, #tpu.memory_space<vmem>>, vector<16xf32>,
    %swap3A_321 = arith.constant 2320 : index
    %swap3A_322 = tpu.vector_load %arg9[%swap3A_321] {strides = array<i32>} : memref<4096xf32, #tpu.memory_space<vmem>>, vector<16xf32>,
    tpu.vector_store %arg9[%swap3A_321], %get3A_3 {strides = array<i32>} : memref<4096xf32, #tpu.memory_space<vmem>>, vector<16xf32>,
    %swap3A_323 = arith.constant 2336 : index
    %swap3A_324 = tpu.vector_load %arg9[%swap3A_323] {strides = array<i32>} : memref<4096xf32, #tpu.memory_space<vmem>>, vector<16xf32>,
    tpu.vector_store %arg9[%swap3A_323], %get3A_3 {strides = array<i32>} : memref<4096xf32, #tpu.memory_space<vmem>>, vector<16xf32>,
    %swap3A_325 = arith.constant 2352 : index
    %swap3A_326 = tpu.vector_load %arg9[%swap3A_325] {strides = array<i32>} : memref<4096xf32, #tpu.memory_space<vmem>>, vector<16xf32>,
    tpu.vector_store %arg9[%swap3A_325], %get3A_3 {strides = array<i32>} : memref<4096xf32, #tpu.memory_space<vmem>>, vector<16xf32>,
    %swap3A_327 = arith.constant 2368 : index
    %swap3A_328 = tpu.vector_load %arg9[%swap3A_327] {strides = array<i32>} : memref<4096xf32, #tpu.memory_space<vmem>>, vector<16xf32>,
    tpu.vector_store %arg9[%swap3A_327], %get3A_3 {strides = array<i32>} : memref<4096xf32, #tpu.memory_space<vmem>>, vector<16xf32>,
    %swap3A_329 = arith.constant 2384 : index
    %swap3A_330 = tpu.vector_load %arg9[%swap3A_329] {strides = array<i32>} : memref<4096xf32, #tpu.memory_space<vmem>>, vector<16xf32>,
    tpu.vector_store %arg9[%swap3A_329], %get3A_3 {strides = array<i32>} : memref<4096xf32, #tpu.memory_space<vmem>>, vector<16xf32>,
    %swap3A_331 = arith.constant 2400 : index
    %swap3A_332 = tpu.vector_load %arg9[%swap3A_331] {strides = array<i32>} : memref<4096xf32, #tpu.memory_space<vmem>>, vector<16xf32>,
    tpu.vector_store %arg9[%swap3A_331], %get3A_3 {strides = array<i32>} : memref<4096xf32, #tpu.memory_space<vmem>>, vector<16xf32>,
    %swap3A_333 = arith.constant 2416 : index
    %swap3A_334 = tpu.vector_load %arg9[%swap3A_333] {strides = array<i32>} : memref<4096xf32, #tpu.memory_space<vmem>>, vector<16xf32>,
    tpu.vector_store %arg9[%swap3A_333], %get3A_3 {strides = array<i32>} : memref<4096xf32, #tpu.memory_space<vmem>>, vector<16xf32>,
    %swap3A_335 = arith.constant 2432 : index
    %swap3A_336 = tpu.vector_load %arg9[%swap3A_335] {strides = array<i32>} : memref<4096xf32, #tpu.memory_space<vmem>>, vector<16xf32>,
    tpu.vector_store %arg9[%swap3A_335], %get3A_3 {strides = array<i32>} : memref<4096xf32, #tpu.memory_space<vmem>>, vector<16xf32>,
    %swap3A_337 = arith.constant 2448 : index
    %swap3A_338 = tpu.vector_load %arg9[%swap3A_337] {strides = array<i32>} : memref<4096xf32, #tpu.memory_space<vmem>>, vector<16xf32>,
    tpu.vector_store %arg9[%swap3A_337], %get3A_3 {strides = array<i32>} : memref<4096xf32, #tpu.memory_space<vmem>>, vector<16xf32>,
    %swap3A_339 = arith.constant 2464 : index
    %swap3A_340 = tpu.vector_load %arg9[%swap3A_339] {strides = array<i32>} : memref<4096xf32, #tpu.memory_space<vmem>>, vector<16xf32>,
    tpu.vector_store %arg9[%swap3A_339], %get3A_3 {strides = array<i32>} : memref<4096xf32, #tpu.memory_space<vmem>>, vector<16xf32>,
    %swap3A_341 = arith.constant 2480 : index
    %swap3A_342 = tpu.vector_load %arg9[%swap3A_341] {strides = array<i32>} : memref<4096xf32, #tpu.memory_space<vmem>>, vector<16xf32>,
    tpu.vector_store %arg9[%swap3A_341], %get3A_3 {strides = array<i32>} : memref<4096xf32, #tpu.memory_space<vmem>>, vector<16xf32>,
    %swap3A_343 = arith.constant 2496 : index
    %swap3A_344 = tpu.vector_load %arg9[%swap3A_343] {strides = array<i32>} : memref<4096xf32, #tpu.memory_space<vmem>>, vector<16xf32>,
    tpu.vector_store %arg9[%swap3A_343], %get3A_3 {strides = array<i32>} : memref<4096xf32, #tpu.memory_space<vmem>>, vector<16xf32>,
    %swap3A_345 = arith.constant 2512 : index
    %swap3A_346 = tpu.vector_load %arg9[%swap3A_345] {strides = array<i32>} : memref<4096xf32, #tpu.memory_space<vmem>>, vector<16xf32>,
    tpu.vector_store %arg9[%swap3A_345], %get3A_3 {strides = array<i32>} : memref<4096xf32, #tpu.memory_space<vmem>>, vector<16xf32>,
    %swap3A_347 = arith.constant 2528 : index
    %swap3A_348 = tpu.vector_load %arg9[%swap3A_347] {strides = array<i32>} : memref<4096xf32, #tpu.memory_space<vmem>>, vector<16xf32>,
    tpu.vector_store %arg9[%swap3A_347], %get3A_3 {strides = array<i32>} : memref<4096xf32, #tpu.memory_space<vmem>>, vector<16xf32>,
    %swap3A_349 = arith.constant 2544 : index
    %swap3A_350 = tpu.vector_load %arg9[%swap3A_349] {strides = array<i32>} : memref<4096xf32, #tpu.memory_space<vmem>>, vector<16xf32>,
    tpu.vector_store %arg9[%swap3A_349], %get3A_3 {strides = array<i32>} : memref<4096xf32, #tpu.memory_space<vmem>>, vector<16xf32>,
    %swap3A_351 = arith.constant 2560 : index
    %swap3A_352 = tpu.vector_load %arg9[%swap3A_351] {strides = array<i32>} : memref<4096xf32, #tpu.memory_space<vmem>>, vector<16xf32>,
    tpu.vector_store %arg9[%swap3A_351], %get3A_3 {strides = array<i32>} : memref<4096xf32, #tpu.memory_space<vmem>>, vector<16xf32>,
    %swap3A_353 = arith.constant 2576 : index
    %swap3A_354 = tpu.vector_load %arg9[%swap3A_353] {strides = array<i32>} : memref<4096xf32, #tpu.memory_space<vmem>>, vector<16xf32>,
    tpu.vector_store %arg9[%swap3A_353], %get3A_3 {strides = array<i32>} : memref<4096xf32, #tpu.memory_space<vmem>>, vector<16xf32>,
    %swap3A_355 = arith.constant 2592 : index
    %swap3A_356 = tpu.vector_load %arg9[%swap3A_355] {strides = array<i32>} : memref<4096xf32, #tpu.memory_space<vmem>>, vector<16xf32>,
    tpu.vector_store %arg9[%swap3A_355], %get3A_3 {strides = array<i32>} : memref<4096xf32, #tpu.memory_space<vmem>>, vector<16xf32>,
    %swap3A_357 = arith.constant 2608 : index
    %swap3A_358 = tpu.vector_load %arg9[%swap3A_357] {strides = array<i32>} : memref<4096xf32, #tpu.memory_space<vmem>>, vector<16xf32>,
    tpu.vector_store %arg9[%swap3A_357], %get3A_3 {strides = array<i32>} : memref<4096xf32, #tpu.memory_space<vmem>>, vector<16xf32>,
    %swap3A_359 = arith.constant 2624 : index
    %swap3A_360 = tpu.vector_load %arg9[%swap3A_359] {strides = array<i32>} : memref<4096xf32, #tpu.memory_space<vmem>>, vector<16xf32>,
    tpu.vector_store %arg9[%swap3A_359], %get3A_3 {strides = array<i32>} : memref<4096xf32, #tpu.memory_space<vmem>>, vector<16xf32>,
    %swap3A_361 = arith.constant 2640 : index
    %swap3A_362 = tpu.vector_load %arg9[%swap3A_361] {strides = array<i32>} : memref<4096xf32, #tpu.memory_space<vmem>>, vector<16xf32>,
    tpu.vector_store %arg9[%swap3A_361], %get3A_3 {strides = array<i32>} : memref<4096xf32, #tpu.memory_space<vmem>>, vector<16xf32>,
    %swap3A_363 = arith.constant 2656 : index
    %swap3A_364 = tpu.vector_load %arg9[%swap3A_363] {strides = array<i32>} : memref<4096xf32, #tpu.memory_space<vmem>>, vector<16xf32>,
    tpu.vector_store %arg9[%swap3A_363], %get3A_3 {strides = array<i32>} : memref<4096xf32, #tpu.memory_space<vmem>>, vector<16xf32>,
    %swap3A_365 = arith.constant 2672 : index
    %swap3A_366 = tpu.vector_load %arg9[%swap3A_365] {strides = array<i32>} : memref<4096xf32, #tpu.memory_space<vmem>>, vector<16xf32>,
    tpu.vector_store %arg9[%swap3A_365], %get3A_3 {strides = array<i32>} : memref<4096xf32, #tpu.memory_space<vmem>>, vector<16xf32>,
    %swap3A_367 = arith.constant 2688 : index
    %swap3A_368 = tpu.vector_load %arg9[%swap3A_367] {strides = array<i32>} : memref<4096xf32, #tpu.memory_space<vmem>>, vector<16xf32>,
    tpu.vector_store %arg9[%swap3A_367], %get3A_3 {strides = array<i32>} : memref<4096xf32, #tpu.memory_space<vmem>>, vector<16xf32>,
    %swap3A_369 = arith.constant 2704 : index
    %swap3A_370 = tpu.vector_load %arg9[%swap3A_369] {strides = array<i32>} : memref<4096xf32, #tpu.memory_space<vmem>>, vector<16xf32>,
    tpu.vector_store %arg9[%swap3A_369], %get3A_3 {strides = array<i32>} : memref<4096xf32, #tpu.memory_space<vmem>>, vector<16xf32>,
    %swap3A_371 = arith.constant 2720 : index
    %swap3A_372 = tpu.vector_load %arg9[%swap3A_371] {strides = array<i32>} : memref<4096xf32, #tpu.memory_space<vmem>>, vector<16xf32>,
    tpu.vector_store %arg9[%swap3A_371], %get3A_3 {strides = array<i32>} : memref<4096xf32, #tpu.memory_space<vmem>>, vector<16xf32>,
    %swap3A_373 = arith.constant 2736 : index
    %swap3A_374 = tpu.vector_load %arg9[%swap3A_373] {strides = array<i32>} : memref<4096xf32, #tpu.memory_space<vmem>>, vector<16xf32>,
    tpu.vector_store %arg9[%swap3A_373], %get3A_3 {strides = array<i32>} : memref<4096xf32, #tpu.memory_space<vmem>>, vector<16xf32>,
    %swap3A_375 = arith.constant 2752 : index
    %swap3A_376 = tpu.vector_load %arg9[%swap3A_375] {strides = array<i32>} : memref<4096xf32, #tpu.memory_space<vmem>>, vector<16xf32>,
    tpu.vector_store %arg9[%swap3A_375], %get3A_3 {strides = array<i32>} : memref<4096xf32, #tpu.memory_space<vmem>>, vector<16xf32>,
    %swap3A_377 = arith.constant 2768 : index
    %swap3A_378 = tpu.vector_load %arg9[%swap3A_377] {strides = array<i32>} : memref<4096xf32, #tpu.memory_space<vmem>>, vector<16xf32>,
    tpu.vector_store %arg9[%swap3A_377], %get3A_3 {strides = array<i32>} : memref<4096xf32, #tpu.memory_space<vmem>>, vector<16xf32>,
    %swap3A_379 = arith.constant 2784 : index
    %swap3A_380 = tpu.vector_load %arg9[%swap3A_379] {strides = array<i32>} : memref<4096xf32, #tpu.memory_space<vmem>>, vector<16xf32>,
    tpu.vector_store %arg9[%swap3A_379], %get3A_3 {strides = array<i32>} : memref<4096xf32, #tpu.memory_space<vmem>>, vector<16xf32>,
    %swap3A_381 = arith.constant 2800 : index
    %swap3A_382 = tpu.vector_load %arg9[%swap3A_381] {strides = array<i32>} : memref<4096xf32, #tpu.memory_space<vmem>>, vector<16xf32>,
    tpu.vector_store %arg9[%swap3A_381], %get3A_3 {strides = array<i32>} : memref<4096xf32, #tpu.memory_space<vmem>>, vector<16xf32>,
    %swap3A_383 = arith.constant 2816 : index
    %swap3A_384 = tpu.vector_load %arg9[%swap3A_383] {strides = array<i32>} : memref<4096xf32, #tpu.memory_space<vmem>>, vector<16xf32>,
    tpu.vector_store %arg9[%swap3A_383], %get3A_3 {strides = array<i32>} : memref<4096xf32, #tpu.memory_space<vmem>>, vector<16xf32>,
    %swap3A_385 = arith.constant 2832 : index
    %swap3A_386 = tpu.vector_load %arg9[%swap3A_385] {strides = array<i32>} : memref<4096xf32, #tpu.memory_space<vmem>>, vector<16xf32>,
    tpu.vector_store %arg9[%swap3A_385], %get3A_3 {strides = array<i32>} : memref<4096xf32, #tpu.memory_space<vmem>>, vector<16xf32>,
    %swap3A_387 = arith.constant 2848 : index
    %swap3A_388 = tpu.vector_load %arg9[%swap3A_387] {strides = array<i32>} : memref<4096xf32, #tpu.memory_space<vmem>>, vector<16xf32>,
    tpu.vector_store %arg9[%swap3A_387], %get3A_3 {strides = array<i32>} : memref<4096xf32, #tpu.memory_space<vmem>>, vector<16xf32>,
    %swap3A_389 = arith.constant 2864 : index
    %swap3A_390 = tpu.vector_load %arg9[%swap3A_389] {strides = array<i32>} : memref<4096xf32, #tpu.memory_space<vmem>>, vector<16xf32>,
    tpu.vector_store %arg9[%swap3A_389], %get3A_3 {strides = array<i32>} : memref<4096xf32, #tpu.memory_space<vmem>>, vector<16xf32>,
    %swap3A_391 = arith.constant 2880 : index
    %swap3A_392 = tpu.vector_load %arg9[%swap3A_391] {strides = array<i32>} : memref<4096xf32, #tpu.memory_space<vmem>>, vector<16xf32>,
    tpu.vector_store %arg9[%swap3A_391], %get3A_3 {strides = array<i32>} : memref<4096xf32, #tpu.memory_space<vmem>>, vector<16xf32>,
    %swap3A_393 = arith.constant 2896 : index
    %swap3A_394 = tpu.vector_load %arg9[%swap3A_393] {strides = array<i32>} : memref<4096xf32, #tpu.memory_space<vmem>>, vector<16xf32>,
    tpu.vector_store %arg9[%swap3A_393], %get3A_3 {strides = array<i32>} : memref<4096xf32, #tpu.memory_space<vmem>>, vector<16xf32>,
    %swap3A_395 = arith.constant 2912 : index
    %swap3A_396 = tpu.vector_load %arg9[%swap3A_395] {strides = array<i32>} : memref<4096xf32, #tpu.memory_space<vmem>>, vector<16xf32>,
    tpu.vector_store %arg9[%swap3A_395], %get3A_3 {strides = array<i32>} : memref<4096xf32, #tpu.memory_space<vmem>>, vector<16xf32>,
    %swap3A_397 = arith.constant 2928 : index
    %swap3A_398 = tpu.vector_load %arg9[%swap3A_397] {strides = array<i32>} : memref<4096xf32, #tpu.memory_space<vmem>>, vector<16xf32>,
    tpu.vector_store %arg9[%swap3A_397], %get3A_3 {strides = array<i32>} : memref<4096xf32, #tpu.memory_space<vmem>>, vector<16xf32>,
    %swap3A_399 = arith.constant 2944 : index
    %swap3A_400 = tpu.vector_load %arg9[%swap3A_399] {strides = array<i32>} : memref<4096xf32, #tpu.memory_space<vmem>>, vector<16xf32>,
    tpu.vector_store %arg9[%swap3A_399], %get3A_3 {strides = array<i32>} : memref<4096xf32, #tpu.memory_space<vmem>>, vector<16xf32>,
    %swap3A_401 = arith.constant 2960 : index
    %swap3A_402 = tpu.vector_load %arg9[%swap3A_401] {strides = array<i32>} : memref<4096xf32, #tpu.memory_space<vmem>>, vector<16xf32>,
    tpu.vector_store %arg9[%swap3A_401], %get3A_3 {strides = array<i32>} : memref<4096xf32, #tpu.memory_space<vmem>>, vector<16xf32>,
    %swap3A_403 = arith.constant 2976 : index
    %swap3A_404 = tpu.vector_load %arg9[%swap3A_403] {strides = array<i32>} : memref<4096xf32, #tpu.memory_space<vmem>>, vector<16xf32>,
    tpu.vector_store %arg9[%swap3A_403], %get3A_3 {strides = array<i32>} : memref<4096xf32, #tpu.memory_space<vmem>>, vector<16xf32>,
    %swap3A_405 = arith.constant 2992 : index
    %swap3A_406 = tpu.vector_load %arg9[%swap3A_405] {strides = array<i32>} : memref<4096xf32, #tpu.memory_space<vmem>>, vector<16xf32>,
    tpu.vector_store %arg9[%swap3A_405], %get3A_3 {strides = array<i32>} : memref<4096xf32, #tpu.memory_space<vmem>>, vector<16xf32>,
    %swap3A_407 = arith.constant 3008 : index
    %swap3A_408 = tpu.vector_load %arg9[%swap3A_407] {strides = array<i32>} : memref<4096xf32, #tpu.memory_space<vmem>>, vector<16xf32>,
    tpu.vector_store %arg9[%swap3A_407], %get3A_3 {strides = array<i32>} : memref<4096xf32, #tpu.memory_space<vmem>>, vector<16xf32>,
    %swap3A_409 = arith.constant 3024 : index
    %swap3A_410 = tpu.vector_load %arg9[%swap3A_409] {strides = array<i32>} : memref<4096xf32, #tpu.memory_space<vmem>>, vector<16xf32>,
    tpu.vector_store %arg9[%swap3A_409], %get3A_3 {strides = array<i32>} : memref<4096xf32, #tpu.memory_space<vmem>>, vector<16xf32>,
    %swap3A_411 = arith.constant 3040 : index
    %swap3A_412 = tpu.vector_load %arg9[%swap3A_411] {strides = array<i32>} : memref<4096xf32, #tpu.memory_space<vmem>>, vector<16xf32>,
    tpu.vector_store %arg9[%swap3A_411], %get3A_3 {strides = array<i32>} : memref<4096xf32, #tpu.memory_space<vmem>>, vector<16xf32>,
    %swap3A_413 = arith.constant 3056 : index
    %swap3A_414 = tpu.vector_load %arg9[%swap3A_413] {strides = array<i32>} : memref<4096xf32, #tpu.memory_space<vmem>>, vector<16xf32>,
    tpu.vector_store %arg9[%swap3A_413], %get3A_3 {strides = array<i32>} : memref<4096xf32, #tpu.memory_space<vmem>>, vector<16xf32>,
    %swap3A_415 = arith.constant 3072 : index
    %swap3A_416 = tpu.vector_load %arg9[%swap3A_415] {strides = array<i32>} : memref<4096xf32, #tpu.memory_space<vmem>>, vector<16xf32>,
    tpu.vector_store %arg9[%swap3A_415], %get3A_3 {strides = array<i32>} : memref<4096xf32, #tpu.memory_space<vmem>>, vector<16xf32>,
    %swap3A_417 = arith.constant 3088 : index
    %swap3A_418 = tpu.vector_load %arg9[%swap3A_417] {strides = array<i32>} : memref<4096xf32, #tpu.memory_space<vmem>>, vector<16xf32>,
    tpu.vector_store %arg9[%swap3A_417], %get3A_3 {strides = array<i32>} : memref<4096xf32, #tpu.memory_space<vmem>>, vector<16xf32>,
    %swap3A_419 = arith.constant 3104 : index
    %swap3A_420 = tpu.vector_load %arg9[%swap3A_419] {strides = array<i32>} : memref<4096xf32, #tpu.memory_space<vmem>>, vector<16xf32>,
    tpu.vector_store %arg9[%swap3A_419], %get3A_3 {strides = array<i32>} : memref<4096xf32, #tpu.memory_space<vmem>>, vector<16xf32>,
    %swap3A_421 = arith.constant 3120 : index
    %swap3A_422 = tpu.vector_load %arg9[%swap3A_421] {strides = array<i32>} : memref<4096xf32, #tpu.memory_space<vmem>>, vector<16xf32>,
    tpu.vector_store %arg9[%swap3A_421], %get3A_3 {strides = array<i32>} : memref<4096xf32, #tpu.memory_space<vmem>>, vector<16xf32>,
    %swap3A_423 = arith.constant 3136 : index
    %swap3A_424 = tpu.vector_load %arg9[%swap3A_423] {strides = array<i32>} : memref<4096xf32, #tpu.memory_space<vmem>>, vector<16xf32>,
    tpu.vector_store %arg9[%swap3A_423], %get3A_3 {strides = array<i32>} : memref<4096xf32, #tpu.memory_space<vmem>>, vector<16xf32>,
    %swap3A_425 = arith.constant 3152 : index
    %swap3A_426 = tpu.vector_load %arg9[%swap3A_425] {strides = array<i32>} : memref<4096xf32, #tpu.memory_space<vmem>>, vector<16xf32>,
    tpu.vector_store %arg9[%swap3A_425], %get3A_3 {strides = array<i32>} : memref<4096xf32, #tpu.memory_space<vmem>>, vector<16xf32>,
    %swap3A_427 = arith.constant 3168 : index
    %swap3A_428 = tpu.vector_load %arg9[%swap3A_427] {strides = array<i32>} : memref<4096xf32, #tpu.memory_space<vmem>>, vector<16xf32>,
    tpu.vector_store %arg9[%swap3A_427], %get3A_3 {strides = array<i32>} : memref<4096xf32, #tpu.memory_space<vmem>>, vector<16xf32>,
    %swap3A_429 = arith.constant 3184 : index
    %swap3A_430 = tpu.vector_load %arg9[%swap3A_429] {strides = array<i32>} : memref<4096xf32, #tpu.memory_space<vmem>>, vector<16xf32>,
    tpu.vector_store %arg9[%swap3A_429], %get3A_3 {strides = array<i32>} : memref<4096xf32, #tpu.memory_space<vmem>>, vector<16xf32>,
    %swap3A_431 = arith.constant 3200 : index
    %swap3A_432 = tpu.vector_load %arg9[%swap3A_431] {strides = array<i32>} : memref<4096xf32, #tpu.memory_space<vmem>>, vector<16xf32>,
    tpu.vector_store %arg9[%swap3A_431], %get3A_3 {strides = array<i32>} : memref<4096xf32, #tpu.memory_space<vmem>>, vector<16xf32>,
    %swap3A_433 = arith.constant 3216 : index
    %swap3A_434 = tpu.vector_load %arg9[%swap3A_433] {strides = array<i32>} : memref<4096xf32, #tpu.memory_space<vmem>>, vector<16xf32>,
    tpu.vector_store %arg9[%swap3A_433], %get3A_3 {strides = array<i32>} : memref<4096xf32, #tpu.memory_space<vmem>>, vector<16xf32>,
    %swap3A_435 = arith.constant 3232 : index
    %swap3A_436 = tpu.vector_load %arg9[%swap3A_435] {strides = array<i32>} : memref<4096xf32, #tpu.memory_space<vmem>>, vector<16xf32>,
    tpu.vector_store %arg9[%swap3A_435], %get3A_3 {strides = array<i32>} : memref<4096xf32, #tpu.memory_space<vmem>>, vector<16xf32>,
    %swap3A_437 = arith.constant 3248 : index
    %swap3A_438 = tpu.vector_load %arg9[%swap3A_437] {strides = array<i32>} : memref<4096xf32, #tpu.memory_space<vmem>>, vector<16xf32>,
    tpu.vector_store %arg9[%swap3A_437], %get3A_3 {strides = array<i32>} : memref<4096xf32, #tpu.memory_space<vmem>>, vector<16xf32>,
    %swap3A_439 = arith.constant 3264 : index
    %swap3A_440 = tpu.vector_load %arg9[%swap3A_439] {strides = array<i32>} : memref<4096xf32, #tpu.memory_space<vmem>>, vector<16xf32>,
    tpu.vector_store %arg9[%swap3A_439], %get3A_3 {strides = array<i32>} : memref<4096xf32, #tpu.memory_space<vmem>>, vector<16xf32>,
    %swap3A_441 = arith.constant 3280 : index
    %swap3A_442 = tpu.vector_load %arg9[%swap3A_441] {strides = array<i32>} : memref<4096xf32, #tpu.memory_space<vmem>>, vector<16xf32>,
    tpu.vector_store %arg9[%swap3A_441], %get3A_3 {strides = array<i32>} : memref<4096xf32, #tpu.memory_space<vmem>>, vector<16xf32>,
    %swap3A_443 = arith.constant 3296 : index
    %swap3A_444 = tpu.vector_load %arg9[%swap3A_443] {strides = array<i32>} : memref<4096xf32, #tpu.memory_space<vmem>>, vector<16xf32>,
    tpu.vector_store %arg9[%swap3A_443], %get3A_3 {strides = array<i32>} : memref<4096xf32, #tpu.memory_space<vmem>>, vector<16xf32>,
    %swap3A_445 = arith.constant 3312 : index
    %swap3A_446 = tpu.vector_load %arg9[%swap3A_445] {strides = array<i32>} : memref<4096xf32, #tpu.memory_space<vmem>>, vector<16xf32>,
    tpu.vector_store %arg9[%swap3A_445], %get3A_3 {strides = array<i32>} : memref<4096xf32, #tpu.memory_space<vmem>>, vector<16xf32>,
    %swap3A_447 = arith.constant 3328 : index
    %swap3A_448 = tpu.vector_load %arg9[%swap3A_447] {strides = array<i32>} : memref<4096xf32, #tpu.memory_space<vmem>>, vector<16xf32>,
    tpu.vector_store %arg9[%swap3A_447], %get3A_3 {strides = array<i32>} : memref<4096xf32, #tpu.memory_space<vmem>>, vector<16xf32>,
    %swap3A_449 = arith.constant 3344 : index
    %swap3A_450 = tpu.vector_load %arg9[%swap3A_449] {strides = array<i32>} : memref<4096xf32, #tpu.memory_space<vmem>>, vector<16xf32>,
    tpu.vector_store %arg9[%swap3A_449], %get3A_3 {strides = array<i32>} : memref<4096xf32, #tpu.memory_space<vmem>>, vector<16xf32>,
    %swap3A_451 = arith.constant 3360 : index
    %swap3A_452 = tpu.vector_load %arg9[%swap3A_451] {strides = array<i32>} : memref<4096xf32, #tpu.memory_space<vmem>>, vector<16xf32>,
    tpu.vector_store %arg9[%swap3A_451], %get3A_3 {strides = array<i32>} : memref<4096xf32, #tpu.memory_space<vmem>>, vector<16xf32>,
    %swap3A_453 = arith.constant 3376 : index
    %swap3A_454 = tpu.vector_load %arg9[%swap3A_453] {strides = array<i32>} : memref<4096xf32, #tpu.memory_space<vmem>>, vector<16xf32>,
    tpu.vector_store %arg9[%swap3A_453], %get3A_3 {strides = array<i32>} : memref<4096xf32, #tpu.memory_space<vmem>>, vector<16xf32>,
    %swap3A_455 = arith.constant 3392 : index
    %swap3A_456 = tpu.vector_load %arg9[%swap3A_455] {strides = array<i32>} : memref<4096xf32, #tpu.memory_space<vmem>>, vector<16xf32>,
    tpu.vector_store %arg9[%swap3A_455], %get3A_3 {strides = array<i32>} : memref<4096xf32, #tpu.memory_space<vmem>>, vector<16xf32>,
    %swap3A_457 = arith.constant 3408 : index
    %swap3A_458 = tpu.vector_load %arg9[%swap3A_457] {strides = array<i32>} : memref<4096xf32, #tpu.memory_space<vmem>>, vector<16xf32>,
    tpu.vector_store %arg9[%swap3A_457], %get3A_3 {strides = array<i32>} : memref<4096xf32, #tpu.memory_space<vmem>>, vector<16xf32>,
    %swap3A_459 = arith.constant 3424 : index
    %swap3A_460 = tpu.vector_load %arg9[%swap3A_459] {strides = array<i32>} : memref<4096xf32, #tpu.memory_space<vmem>>, vector<16xf32>,
    tpu.vector_store %arg9[%swap3A_459], %get3A_3 {strides = array<i32>} : memref<4096xf32, #tpu.memory_space<vmem>>, vector<16xf32>,
    %swap3A_461 = arith.constant 3440 : index
    %swap3A_462 = tpu.vector_load %arg9[%swap3A_461] {strides = array<i32>} : memref<4096xf32, #tpu.memory_space<vmem>>, vector<16xf32>,
    tpu.vector_store %arg9[%swap3A_461], %get3A_3 {strides = array<i32>} : memref<4096xf32, #tpu.memory_space<vmem>>, vector<16xf32>,
    %swap3A_463 = arith.constant 3456 : index
    %swap3A_464 = tpu.vector_load %arg9[%swap3A_463] {strides = array<i32>} : memref<4096xf32, #tpu.memory_space<vmem>>, vector<16xf32>,
    tpu.vector_store %arg9[%swap3A_463], %get3A_3 {strides = array<i32>} : memref<4096xf32, #tpu.memory_space<vmem>>, vector<16xf32>,
    %swap3A_465 = arith.constant 3472 : index
    %swap3A_466 = tpu.vector_load %arg9[%swap3A_465] {strides = array<i32>} : memref<4096xf32, #tpu.memory_space<vmem>>, vector<16xf32>,
    tpu.vector_store %arg9[%swap3A_465], %get3A_3 {strides = array<i32>} : memref<4096xf32, #tpu.memory_space<vmem>>, vector<16xf32>,
    %swap3A_467 = arith.constant 3488 : index
    %swap3A_468 = tpu.vector_load %arg9[%swap3A_467] {strides = array<i32>} : memref<4096xf32, #tpu.memory_space<vmem>>, vector<16xf32>,
    tpu.vector_store %arg9[%swap3A_467], %get3A_3 {strides = array<i32>} : memref<4096xf32, #tpu.memory_space<vmem>>, vector<16xf32>,
    %swap3A_469 = arith.constant 3504 : index
    %swap3A_470 = tpu.vector_load %arg9[%swap3A_469] {strides = array<i32>} : memref<4096xf32, #tpu.memory_space<vmem>>, vector<16xf32>,
    tpu.vector_store %arg9[%swap3A_469], %get3A_3 {strides = array<i32>} : memref<4096xf32, #tpu.memory_space<vmem>>, vector<16xf32>,
    %swap3A_471 = arith.constant 3520 : index
    %swap3A_472 = tpu.vector_load %arg9[%swap3A_471] {strides = array<i32>} : memref<4096xf32, #tpu.memory_space<vmem>>, vector<16xf32>,
    tpu.vector_store %arg9[%swap3A_471], %get3A_3 {strides = array<i32>} : memref<4096xf32, #tpu.memory_space<vmem>>, vector<16xf32>,
    %swap3A_473 = arith.constant 3536 : index
    %swap3A_474 = tpu.vector_load %arg9[%swap3A_473] {strides = array<i32>} : memref<4096xf32, #tpu.memory_space<vmem>>, vector<16xf32>,
    tpu.vector_store %arg9[%swap3A_473], %get3A_3 {strides = array<i32>} : memref<4096xf32, #tpu.memory_space<vmem>>, vector<16xf32>,
    %swap3A_475 = arith.constant 3552 : index
    %swap3A_476 = tpu.vector_load %arg9[%swap3A_475] {strides = array<i32>} : memref<4096xf32, #tpu.memory_space<vmem>>, vector<16xf32>,
    tpu.vector_store %arg9[%swap3A_475], %get3A_3 {strides = array<i32>} : memref<4096xf32, #tpu.memory_space<vmem>>, vector<16xf32>,
    %swap3A_477 = arith.constant 3568 : index
    %swap3A_478 = tpu.vector_load %arg9[%swap3A_477] {strides = array<i32>} : memref<4096xf32, #tpu.memory_space<vmem>>, vector<16xf32>,
    tpu.vector_store %arg9[%swap3A_477], %get3A_3 {strides = array<i32>} : memref<4096xf32, #tpu.memory_space<vmem>>, vector<16xf32>,
    %swap3A_479 = arith.constant 3584 : index
    %swap3A_480 = tpu.vector_load %arg9[%swap3A_479] {strides = array<i32>} : memref<4096xf32, #tpu.memory_space<vmem>>, vector<16xf32>,
    tpu.vector_store %arg9[%swap3A_479], %get3A_3 {strides = array<i32>} : memref<4096xf32, #tpu.memory_space<vmem>>, vector<16xf32>,
    %swap3A_481 = arith.constant 3600 : index
    %swap3A_482 = tpu.vector_load %arg9[%swap3A_481] {strides = array<i32>} : memref<4096xf32, #tpu.memory_space<vmem>>, vector<16xf32>,
    tpu.vector_store %arg9[%swap3A_481], %get3A_3 {strides = array<i32>} : memref<4096xf32, #tpu.memory_space<vmem>>, vector<16xf32>,
    %swap3A_483 = arith.constant 3616 : index
    %swap3A_484 = tpu.vector_load %arg9[%swap3A_483] {strides = array<i32>} : memref<4096xf32, #tpu.memory_space<vmem>>, vector<16xf32>,
    tpu.vector_store %arg9[%swap3A_483], %get3A_3 {strides = array<i32>} : memref<4096xf32, #tpu.memory_space<vmem>>, vector<16xf32>,
    %swap3A_485 = arith.constant 3632 : index
    %swap3A_486 = tpu.vector_load %arg9[%swap3A_485] {strides = array<i32>} : memref<4096xf32, #tpu.memory_space<vmem>>, vector<16xf32>,
    tpu.vector_store %arg9[%swap3A_485], %get3A_3 {strides = array<i32>} : memref<4096xf32, #tpu.memory_space<vmem>>, vector<16xf32>,
    %swap3A_487 = arith.constant 3648 : index
    %swap3A_488 = tpu.vector_load %arg9[%swap3A_487] {strides = array<i32>} : memref<4096xf32, #tpu.memory_space<vmem>>, vector<16xf32>,
    tpu.vector_store %arg9[%swap3A_487], %get3A_3 {strides = array<i32>} : memref<4096xf32, #tpu.memory_space<vmem>>, vector<16xf32>,
    %swap3A_489 = arith.constant 3664 : index
    %swap3A_490 = tpu.vector_load %arg9[%swap3A_489] {strides = array<i32>} : memref<4096xf32, #tpu.memory_space<vmem>>, vector<16xf32>,
    tpu.vector_store %arg9[%swap3A_489], %get3A_3 {strides = array<i32>} : memref<4096xf32, #tpu.memory_space<vmem>>, vector<16xf32>,
    %swap3A_491 = arith.constant 3680 : index
    %swap3A_492 = tpu.vector_load %arg9[%swap3A_491] {strides = array<i32>} : memref<4096xf32, #tpu.memory_space<vmem>>, vector<16xf32>,
    tpu.vector_store %arg9[%swap3A_491], %get3A_3 {strides = array<i32>} : memref<4096xf32, #tpu.memory_space<vmem>>, vector<16xf32>,
    %swap3A_493 = arith.constant 3696 : index
    %swap3A_494 = tpu.vector_load %arg9[%swap3A_493] {strides = array<i32>} : memref<4096xf32, #tpu.memory_space<vmem>>, vector<16xf32>,
    tpu.vector_store %arg9[%swap3A_493], %get3A_3 {strides = array<i32>} : memref<4096xf32, #tpu.memory_space<vmem>>, vector<16xf32>,
    %swap3A_495 = arith.constant 3712 : index
    %swap3A_496 = tpu.vector_load %arg9[%swap3A_495] {strides = array<i32>} : memref<4096xf32, #tpu.memory_space<vmem>>, vector<16xf32>,
    tpu.vector_store %arg9[%swap3A_495], %get3A_3 {strides = array<i32>} : memref<4096xf32, #tpu.memory_space<vmem>>, vector<16xf32>,
    %swap3A_497 = arith.constant 3728 : index
    %swap3A_498 = tpu.vector_load %arg9[%swap3A_497] {strides = array<i32>} : memref<4096xf32, #tpu.memory_space<vmem>>, vector<16xf32>,
    tpu.vector_store %arg9[%swap3A_497], %get3A_3 {strides = array<i32>} : memref<4096xf32, #tpu.memory_space<vmem>>, vector<16xf32>,
    %swap3A_499 = arith.constant 3744 : index
    %swap3A_500 = tpu.vector_load %arg9[%swap3A_499] {strides = array<i32>} : memref<4096xf32, #tpu.memory_space<vmem>>, vector<16xf32>,
    tpu.vector_store %arg9[%swap3A_499], %get3A_3 {strides = array<i32>} : memref<4096xf32, #tpu.memory_space<vmem>>, vector<16xf32>,
    %swap3A_501 = arith.constant 3760 : index
    %swap3A_502 = tpu.vector_load %arg9[%swap3A_501] {strides = array<i32>} : memref<4096xf32, #tpu.memory_space<vmem>>, vector<16xf32>,
    tpu.vector_store %arg9[%swap3A_501], %get3A_3 {strides = array<i32>} : memref<4096xf32, #tpu.memory_space<vmem>>, vector<16xf32>,
    %swap3A_503 = arith.constant 3776 : index
    %swap3A_504 = tpu.vector_load %arg9[%swap3A_503] {strides = array<i32>} : memref<4096xf32, #tpu.memory_space<vmem>>, vector<16xf32>,
    tpu.vector_store %arg9[%swap3A_503], %get3A_3 {strides = array<i32>} : memref<4096xf32, #tpu.memory_space<vmem>>, vector<16xf32>,
    %swap3A_505 = arith.constant 3792 : index
    %swap3A_506 = tpu.vector_load %arg9[%swap3A_505] {strides = array<i32>} : memref<4096xf32, #tpu.memory_space<vmem>>, vector<16xf32>,
    tpu.vector_store %arg9[%swap3A_505], %get3A_3 {strides = array<i32>} : memref<4096xf32, #tpu.memory_space<vmem>>, vector<16xf32>,
    %swap3A_507 = arith.constant 3808 : index
    %swap3A_508 = tpu.vector_load %arg9[%swap3A_507] {strides = array<i32>} : memref<4096xf32, #tpu.memory_space<vmem>>, vector<16xf32>,
    tpu.vector_store %arg9[%swap3A_507], %get3A_3 {strides = array<i32>} : memref<4096xf32, #tpu.memory_space<vmem>>, vector<16xf32>,
    %swap3A_509 = arith.constant 3824 : index
    %swap3A_510 = tpu.vector_load %arg9[%swap3A_509] {strides = array<i32>} : memref<4096xf32, #tpu.memory_space<vmem>>, vector<16xf32>,
    tpu.vector_store %arg9[%swap3A_509], %get3A_3 {strides = array<i32>} : memref<4096xf32, #tpu.memory_space<vmem>>, vector<16xf32>,
    %swap3A_511 = arith.constant 3840 : index
    %swap3A_512 = tpu.vector_load %arg9[%swap3A_511] {strides = array<i32>} : memref<4096xf32, #tpu.memory_space<vmem>>, vector<16xf32>,
    tpu.vector_store %arg9[%swap3A_511], %get3A_3 {strides = array<i32>} : memref<4096xf32, #tpu.memory_space<vmem>>, vector<16xf32>,
    %swap3A_513 = arith.constant 3856 : index
    %swap3A_514 = tpu.vector_load %arg9[%swap3A_513] {strides = array<i32>} : memref<4096xf32, #tpu.memory_space<vmem>>, vector<16xf32>,
    tpu.vector_store %arg9[%swap3A_513], %get3A_3 {strides = array<i32>} : memref<4096xf32, #tpu.memory_space<vmem>>, vector<16xf32>,
    %swap3A_515 = arith.constant 3872 : index
    %swap3A_516 = tpu.vector_load %arg9[%swap3A_515] {strides = array<i32>} : memref<4096xf32, #tpu.memory_space<vmem>>, vector<16xf32>,
    tpu.vector_store %arg9[%swap3A_515], %get3A_3 {strides = array<i32>} : memref<4096xf32, #tpu.memory_space<vmem>>, vector<16xf32>,
    %swap3A_517 = arith.constant 3888 : index
    %swap3A_518 = tpu.vector_load %arg9[%swap3A_517] {strides = array<i32>} : memref<4096xf32, #tpu.memory_space<vmem>>, vector<16xf32>,
    tpu.vector_store %arg9[%swap3A_517], %get3A_3 {strides = array<i32>} : memref<4096xf32, #tpu.memory_space<vmem>>, vector<16xf32>,
    %swap3A_519 = arith.constant 3904 : index
    %swap3A_520 = tpu.vector_load %arg9[%swap3A_519] {strides = array<i32>} : memref<4096xf32, #tpu.memory_space<vmem>>, vector<16xf32>,
    tpu.vector_store %arg9[%swap3A_519], %get3A_3 {strides = array<i32>} : memref<4096xf32, #tpu.memory_space<vmem>>, vector<16xf32>,
    %swap3A_521 = arith.constant 3920 : index
    %swap3A_522 = tpu.vector_load %arg9[%swap3A_521] {strides = array<i32>} : memref<4096xf32, #tpu.memory_space<vmem>>, vector<16xf32>,
    tpu.vector_store %arg9[%swap3A_521], %get3A_3 {strides = array<i32>} : memref<4096xf32, #tpu.memory_space<vmem>>, vector<16xf32>,
    %swap3A_523 = arith.constant 3936 : index
    %swap3A_524 = tpu.vector_load %arg9[%swap3A_523] {strides = array<i32>} : memref<4096xf32, #tpu.memory_space<vmem>>, vector<16xf32>,
    tpu.vector_store %arg9[%swap3A_523], %get3A_3 {strides = array<i32>} : memref<4096xf32, #tpu.memory_space<vmem>>, vector<16xf32>,
    %swap3A_525 = arith.constant 3952 : index
    %swap3A_526 = tpu.vector_load %arg9[%swap3A_525] {strides = array<i32>} : memref<4096xf32, #tpu.memory_space<vmem>>, vector<16xf32>,
    tpu.vector_store %arg9[%swap3A_525], %get3A_3 {strides = array<i32>} : memref<4096xf32, #tpu.memory_space<vmem>>, vector<16xf32>,
    %swap3A_527 = arith.constant 3968 : index
    %swap3A_528 = tpu.vector_load %arg9[%swap3A_527] {strides = array<i32>} : memref<4096xf32, #tpu.memory_space<vmem>>, vector<16xf32>,
    tpu.vector_store %arg9[%swap3A_527], %get3A_3 {strides = array<i32>} : memref<4096xf32, #tpu.memory_space<vmem>>, vector<16xf32>,
    %swap3A_529 = arith.constant 3984 : index
    %swap3A_530 = tpu.vector_load %arg9[%swap3A_529] {strides = array<i32>} : memref<4096xf32, #tpu.memory_space<vmem>>, vector<16xf32>,
    tpu.vector_store %arg9[%swap3A_529], %get3A_3 {strides = array<i32>} : memref<4096xf32, #tpu.memory_space<vmem>>, vector<16xf32>,
    %swap3A_531 = arith.constant 4000 : index
    %swap3A_532 = tpu.vector_load %arg9[%swap3A_531] {strides = array<i32>} : memref<4096xf32, #tpu.memory_space<vmem>>, vector<16xf32>,
    tpu.vector_store %arg9[%swap3A_531], %get3A_3 {strides = array<i32>} : memref<4096xf32, #tpu.memory_space<vmem>>, vector<16xf32>,
    %swap3A_533 = arith.constant 4016 : index
    %swap3A_534 = tpu.vector_load %arg9[%swap3A_533] {strides = array<i32>} : memref<4096xf32, #tpu.memory_space<vmem>>, vector<16xf32>,
    tpu.vector_store %arg9[%swap3A_533], %get3A_3 {strides = array<i32>} : memref<4096xf32, #tpu.memory_space<vmem>>, vector<16xf32>,
    %swap3A_535 = arith.constant 4032 : index
    %swap3A_536 = tpu.vector_load %arg9[%swap3A_535] {strides = array<i32>} : memref<4096xf32, #tpu.memory_space<vmem>>, vector<16xf32>,
    tpu.vector_store %arg9[%swap3A_535], %get3A_3 {strides = array<i32>} : memref<4096xf32, #tpu.memory_space<vmem>>, vector<16xf32>,
    %swap3A_537 = arith.constant 4048 : index
    %swap3A_538 = tpu.vector_load %arg9[%swap3A_537] {strides = array<i32>} : memref<4096xf32, #tpu.memory_space<vmem>>, vector<16xf32>,
    tpu.vector_store %arg9[%swap3A_537], %get3A_3 {strides = array<i32>} : memref<4096xf32, #tpu.memory_space<vmem>>, vector<16xf32>,
    %swap3A_539 = arith.constant 4064 : index
    %swap3A_540 = tpu.vector_load %arg9[%swap3A_539] {strides = array<i32>} : memref<4096xf32, #tpu.memory_space<vmem>>, vector<16xf32>,
    tpu.vector_store %arg9[%swap3A_539], %get3A_3 {strides = array<i32>} : memref<4096xf32, #tpu.memory_space<vmem>>, vector<16xf32>,
    %swap3A_541 = arith.constant 4080 : index
    %swap3A_542 = tpu.vector_load %arg9[%swap3A_541] {strides = array<i32>} : memref<4096xf32, #tpu.memory_space<vmem>>, vector<16xf32>,
    tpu.vector_store %arg9[%swap3A_541], %get3A_3 {strides = array<i32>} : memref<4096xf32, #tpu.memory_space<vmem>>, vector<16xf32>,
    %scan3A = arith.constant 0 : i32
    %scan3A_543 = arith.constant 0 : i32
    %scan3A_544 = arith.constant 200 : i32
    %scan3A_545 = arith.addi %scan3A_543, %scan3A_544 : i32
    %scan3A_546 = arith.constant 1 : i32
    scf.for %scan3A_548 = %scan3A_543 to %scan3A_545 step %scan3A_546  : i32 {
      %mul3A_549 = arith.constant 131072 : i32
      %mul3A_550 = arith.muli %scan3A_548, %mul3A_549 : i32
      %mul3A_551 = arith.constant 1024 : i32
      %mul3A_552 = arith.muli %add3A, %mul3A_551 : i32
      %add3A_553 = arith.addi %mul3A_550, %mul3A_552 : i32
      %add3A_554 = arith.constant 0 : i32
      %add3A_555 = arith.addi %add3A_553, %add3A_554 : i32
      %dma_start3A = arith.constant 0 : i32
      %dma_start3A_556 = tpu.memref_slice %arg9[%dma_start3A] : memref<4096xf32, #tpu.memory_space<vmem>> -> memref<1024xf32, #tpu.memory_space<vmem>>
      %dma_start3A_557 = tpu.memref_slice %arg5[%add3A_555] : memref<26214400xf32, #tpu.memory_space<hbm>> -> memref<1024xf32, #tpu.memory_space<hbm>>
      %dma_start3A_558 = tpu.memref_slice %arg5[%add3A_555] : memref<26214400xf32, #tpu.memory_space<hbm>> -> memref<1024xf32, #tpu.memory_space<hbm>>
      %dma_start3A_559 = arith.constant 0 : i32
      %dma_start3A_560 = tpu.memref_slice %arg9[%dma_start3A_559] : memref<4096xf32, #tpu.memory_space<vmem>> -> memref<1024xf32, #tpu.memory_space<vmem>>
      tpu.enqueue_dma source(%dma_start3A_560 : memref<1024xf32, #tpu.memory_space<vmem>>) target(%dma_start3A_558 : memref<1024xf32, #tpu.memory_space<hbm>>) target_semaphore(%arg10 : memref<!tpu.dma_semaphore, #tpu.memory_space<semaphore_mem>>)
      %add3A_561 = arith.constant 32768 : i32
      %add3A_562 = arith.addi %add3A_553, %add3A_561 : i32
      %dma_start3A_563 = arith.constant 1024 : i32
      %dma_start3A_564 = tpu.memref_slice %arg9[%dma_start3A_563] : memref<4096xf32, #tpu.memory_space<vmem>> -> memref<1024xf32, #tpu.memory_space<vmem>>
      %dma_start3A_565 = tpu.memref_slice %arg5[%add3A_562] : memref<26214400xf32, #tpu.memory_space<hbm>> -> memref<1024xf32, #tpu.memory_space<hbm>>
      %dma_start3A_566 = tpu.memref_slice %arg5[%add3A_562] : memref<26214400xf32, #tpu.memory_space<hbm>> -> memref<1024xf32, #tpu.memory_space<hbm>>
      %dma_start3A_567 = arith.constant 1024 : i32
      %dma_start3A_568 = tpu.memref_slice %arg9[%dma_start3A_567] : memref<4096xf32, #tpu.memory_space<vmem>> -> memref<1024xf32, #tpu.memory_space<vmem>>
      tpu.enqueue_dma source(%dma_start3A_568 : memref<1024xf32, #tpu.memory_space<vmem>>) target(%dma_start3A_566 : memref<1024xf32, #tpu.memory_space<hbm>>) target_semaphore(%arg10 : memref<!tpu.dma_semaphore, #tpu.memory_space<semaphore_mem>>)
      %add3A_569 = arith.constant 65536 : i32
      %add3A_570 = arith.addi %add3A_553, %add3A_569 : i32
      %dma_start3A_571 = arith.constant 2048 : i32
      %dma_start3A_572 = tpu.memref_slice %arg9[%dma_start3A_571] : memref<4096xf32, #tpu.memory_space<vmem>> -> memref<1024xf32, #tpu.memory_space<vmem>>
      %dma_start3A_573 = tpu.memref_slice %arg5[%add3A_570] : memref<26214400xf32, #tpu.memory_space<hbm>> -> memref<1024xf32, #tpu.memory_space<hbm>>
      %dma_start3A_574 = tpu.memref_slice %arg5[%add3A_570] : memref<26214400xf32, #tpu.memory_space<hbm>> -> memref<1024xf32, #tpu.memory_space<hbm>>
      %dma_start3A_575 = arith.constant 2048 : i32
      %dma_start3A_576 = tpu.memref_slice %arg9[%dma_start3A_575] : memref<4096xf32, #tpu.memory_space<vmem>> -> memref<1024xf32, #tpu.memory_space<vmem>>
      tpu.enqueue_dma source(%dma_start3A_576 : memref<1024xf32, #tpu.memory_space<vmem>>) target(%dma_start3A_574 : memref<1024xf32, #tpu.memory_space<hbm>>) target_semaphore(%arg10 : memref<!tpu.dma_semaphore, #tpu.memory_space<semaphore_mem>>)
      %add3A_577 = arith.constant 98304 : i32
      %add3A_578 = arith.addi %add3A_553, %add3A_577 : i32
      %dma_start3A_579 = arith.constant 3072 : i32
      %dma_start3A_580 = tpu.memref_slice %arg9[%dma_start3A_579] : memref<4096xf32, #tpu.memory_space<vmem>> -> memref<1024xf32, #tpu.memory_space<vmem>>
      %dma_start3A_581 = tpu.memref_slice %arg5[%add3A_578] : memref<26214400xf32, #tpu.memory_space<hbm>> -> memref<1024xf32, #tpu.memory_space<hbm>>
      %dma_start3A_582 = tpu.memref_slice %arg5[%add3A_578] : memref<26214400xf32, #tpu.memory_space<hbm>> -> memref<1024xf32, #tpu.memory_space<hbm>>
      %dma_start3A_583 = arith.constant 3072 : i32
      %dma_start3A_584 = tpu.memref_slice %arg9[%dma_start3A_583] : memref<4096xf32, #tpu.memory_space<vmem>> -> memref<1024xf32, #tpu.memory_space<vmem>>
      tpu.enqueue_dma source(%dma_start3A_584 : memref<1024xf32, #tpu.memory_space<vmem>>) target(%dma_start3A_582 : memref<1024xf32, #tpu.memory_space<hbm>>) target_semaphore(%arg10 : memref<!tpu.dma_semaphore, #tpu.memory_space<semaphore_mem>>)
      %broadcast_in_dim3A = vector.broadcast %scan3A_548 : i32 to vector<16xi32>
      %gather3A = tpu.vector_load_idx %arg7[%add3A_10, %broadcast_in_dim3A] : memref<128x201xi32, #tpu.memory_space<vmem>>[vector<16xi32>, vector<16xi32>], vector<16xi32>,
      %gather3A_585 = tpu.vector_load_idx %arg8[%add3A_10, %broadcast_in_dim3A] : memref<128x201xf32, #tpu.memory_space<vmem>>[vector<16xi32>, vector<16xi32>], vector<16xf32>,
      %mul3A_586 = arith.constant 128 : i32
      %mul3A_587 = vector.broadcast %mul3A_586 : i32 to vector<16xi32>
      %mul3A_588 = arith.muli %gather3A, %mul3A_587 : vector<16xi32>
      %add3A_589 = arith.addi %mul3A_588, %add3A_10 : vector<16xi32>
      %gather3A_590 = tpu.vector_load_idx %arg9[%add3A_589] : memref<4096xf32, #tpu.memory_space<vmem>>[vector<16xi32>], vector<16xf32>,
      %sub3A = arith.subf %gather3A_585, %gather3A_590 : vector<16xf32>
      %ne3A = arith.cmpf one, %gather3A_585, %gather3A_585 : vector<16xf32>
      %jit3A = arith.constant 0.000000e+00 : f32
      %broadcast_in_dim3A_591 = vector.broadcast %jit3A : f32 to vector<16xf32>
      %select_n3A = arith.select %ne3A, %broadcast_in_dim3A_591, %sub3A : vector<16xi1>, vector<16xf32>
      %ge3A = arith.constant 0.000000e+00 : f32
      %ge3A_592 = vector.broadcast %ge3A : f32 to vector<16xf32>
      %ge3A_593 = arith.cmpf oge, %select_n3A, %ge3A_592 : vector<16xf32>
      %select_n3A_594 = arith.select %ge3A_593, %get3A_5, %get3A_7 : vector<16xi1>, vector<16xf32>
      %mul3A_595 = arith.mulf %select_n3A_594, %select_n3A : vector<16xf32>
      %add3A_596 = arith.addf %gather3A_590, %mul3A_595 : vector<16xf32>
      %gather3A_597 = tpu.vector_load_idx %arg7[%add3A_13, %broadcast_in_dim3A] : memref<128x201xi32, #tpu.memory_space<vmem>>[vector<16xi32>, vector<16xi32>], vector<16xi32>,
      %gather3A_598 = tpu.vector_load_idx %arg8[%add3A_13, %broadcast_in_dim3A] : memref<128x201xf32, #tpu.memory_space<vmem>>[vector<16xi32>, vector<16xi32>], vector<16xf32>,
      %mul3A_599 = arith.constant 128 : i32
      %mul3A_600 = vector.broadcast %mul3A_599 : i32 to vector<16xi32>
      %mul3A_601 = arith.muli %gather3A_597, %mul3A_600 : vector<16xi32>
      %add3A_602 = arith.addi %mul3A_601, %add3A_13 : vector<16xi32>
      %gather3A_603 = tpu.vector_load_idx %arg9[%add3A_602] : memref<4096xf32, #tpu.memory_space<vmem>>[vector<16xi32>], vector<16xf32>,
      %sub3A_604 = arith.subf %gather3A_598, %gather3A_603 : vector<16xf32>
      %ne3A_605 = arith.cmpf one, %gather3A_598, %gather3A_598 : vector<16xf32>
      %jit3A_606 = arith.constant 0.000000e+00 : f32
      %broadcast_in_dim3A_607 = vector.broadcast %jit3A_606 : f32 to vector<16xf32>
      %select_n3A_608 = arith.select %ne3A_605, %broadcast_in_dim3A_607, %sub3A_604 : vector<16xi1>, vector<16xf32>
      %ge3A_609 = arith.constant 0.000000e+00 : f32
      %ge3A_610 = vector.broadcast %ge3A_609 : f32 to vector<16xf32>
      %ge3A_611 = arith.cmpf oge, %select_n3A_608, %ge3A_610 : vector<16xf32>
      %select_n3A_612 = arith.select %ge3A_611, %get3A_5, %get3A_7 : vector<16xi1>, vector<16xf32>
      %mul3A_613 = arith.mulf %select_n3A_612, %select_n3A_608 : vector<16xf32>
      %add3A_614 = arith.addf %gather3A_603, %mul3A_613 : vector<16xf32>
      %gather3A_615 = tpu.vector_load_idx %arg7[%add3A_16, %broadcast_in_dim3A] : memref<128x201xi32, #tpu.memory_space<vmem>>[vector<16xi32>, vector<16xi32>], vector<16xi32>,
      %gather3A_616 = tpu.vector_load_idx %arg8[%add3A_16, %broadcast_in_dim3A] : memref<128x201xf32, #tpu.memory_space<vmem>>[vector<16xi32>, vector<16xi32>], vector<16xf32>,
      %mul3A_617 = arith.constant 128 : i32
      %mul3A_618 = vector.broadcast %mul3A_617 : i32 to vector<16xi32>
      %mul3A_619 = arith.muli %gather3A_615, %mul3A_618 : vector<16xi32>
      %add3A_620 = arith.addi %mul3A_619, %add3A_16 : vector<16xi32>
      %gather3A_621 = tpu.vector_load_idx %arg9[%add3A_620] : memref<4096xf32, #tpu.memory_space<vmem>>[vector<16xi32>], vector<16xf32>,
      %sub3A_622 = arith.subf %gather3A_616, %gather3A_621 : vector<16xf32>
      %ne3A_623 = arith.cmpf one, %gather3A_616, %gather3A_616 : vector<16xf32>
      %jit3A_624 = arith.constant 0.000000e+00 : f32
      %broadcast_in_dim3A_625 = vector.broadcast %jit3A_624 : f32 to vector<16xf32>
      %select_n3A_626 = arith.select %ne3A_623, %broadcast_in_dim3A_625, %sub3A_622 : vector<16xi1>, vector<16xf32>
      %ge3A_627 = arith.constant 0.000000e+00 : f32
      %ge3A_628 = vector.broadcast %ge3A_627 : f32 to vector<16xf32>
      %ge3A_629 = arith.cmpf oge, %select_n3A_626, %ge3A_628 : vector<16xf32>
      %select_n3A_630 = arith.select %ge3A_629, %get3A_5, %get3A_7 : vector<16xi1>, vector<16xf32>
      %mul3A_631 = arith.mulf %select_n3A_630, %select_n3A_626 : vector<16xf32>
      %add3A_632 = arith.addf %gather3A_621, %mul3A_631 : vector<16xf32>
      %gather3A_633 = tpu.vector_load_idx %arg7[%add3A_19, %broadcast_in_dim3A] : memref<128x201xi32, #tpu.memory_space<vmem>>[vector<16xi32>, vector<16xi32>], vector<16xi32>,
      %gather3A_634 = tpu.vector_load_idx %arg8[%add3A_19, %broadcast_in_dim3A] : memref<128x201xf32, #tpu.memory_space<vmem>>[vector<16xi32>, vector<16xi32>], vector<16xf32>,
      %mul3A_635 = arith.constant 128 : i32
      %mul3A_636 = vector.broadcast %mul3A_635 : i32 to vector<16xi32>
      %mul3A_637 = arith.muli %gather3A_633, %mul3A_636 : vector<16xi32>
      %add3A_638 = arith.addi %mul3A_637, %add3A_19 : vector<16xi32>
      %gather3A_639 = tpu.vector_load_idx %arg9[%add3A_638] : memref<4096xf32, #tpu.memory_space<vmem>>[vector<16xi32>], vector<16xf32>,
      %sub3A_640 = arith.subf %gather3A_634, %gather3A_639 : vector<16xf32>
      %ne3A_641 = arith.cmpf one, %gather3A_634, %gather3A_634 : vector<16xf32>
      %jit3A_642 = arith.constant 0.000000e+00 : f32
      %broadcast_in_dim3A_643 = vector.broadcast %jit3A_642 : f32 to vector<16xf32>
      %select_n3A_644 = arith.select %ne3A_641, %broadcast_in_dim3A_643, %sub3A_640 : vector<16xi1>, vector<16xf32>
      %ge3A_645 = arith.constant 0.000000e+00 : f32
      %ge3A_646 = vector.broadcast %ge3A_645 : f32 to vector<16xf32>
      %ge3A_647 = arith.cmpf oge, %select_n3A_644, %ge3A_646 : vector<16xf32>
      %select_n3A_648 = arith.select %ge3A_647, %get3A_5, %get3A_7 : vector<16xi1>, vector<16xf32>
      %mul3A_649 = arith.mulf %select_n3A_648, %select_n3A_644 : vector<16xf32>
      %add3A_650 = arith.addf %gather3A_639, %mul3A_649 : vector<16xf32>
      %gather3A_651 = tpu.vector_load_idx %arg7[%add3A_22, %broadcast_in_dim3A] : memref<128x201xi32, #tpu.memory_space<vmem>>[vector<16xi32>, vector<16xi32>], vector<16xi32>,
      %gather3A_652 = tpu.vector_load_idx %arg8[%add3A_22, %broadcast_in_dim3A] : memref<128x201xf32, #tpu.memory_space<vmem>>[vector<16xi32>, vector<16xi32>], vector<16xf32>,
      %mul3A_653 = arith.constant 128 : i32
      %mul3A_654 = vector.broadcast %mul3A_653 : i32 to vector<16xi32>
      %mul3A_655 = arith.muli %gather3A_651, %mul3A_654 : vector<16xi32>
      %add3A_656 = arith.addi %mul3A_655, %add3A_22 : vector<16xi32>
      %gather3A_657 = tpu.vector_load_idx %arg9[%add3A_656] : memref<4096xf32, #tpu.memory_space<vmem>>[vector<16xi32>], vector<16xf32>,
      %sub3A_658 = arith.subf %gather3A_652, %gather3A_657 : vector<16xf32>
      %ne3A_659 = arith.cmpf one, %gather3A_652, %gather3A_652 : vector<16xf32>
      %jit3A_660 = arith.constant 0.000000e+00 : f32
      %broadcast_in_dim3A_661 = vector.broadcast %jit3A_660 : f32 to vector<16xf32>
      %select_n3A_662 = arith.select %ne3A_659, %broadcast_in_dim3A_661, %sub3A_658 : vector<16xi1>, vector<16xf32>
      %ge3A_663 = arith.constant 0.000000e+00 : f32
      %ge3A_664 = vector.broadcast %ge3A_663 : f32 to vector<16xf32>
      %ge3A_665 = arith.cmpf oge, %select_n3A_662, %ge3A_664 : vector<16xf32>
      %select_n3A_666 = arith.select %ge3A_665, %get3A_5, %get3A_7 : vector<16xi1>, vector<16xf32>
      %mul3A_667 = arith.mulf %select_n3A_666, %select_n3A_662 : vector<16xf32>
      %add3A_668 = arith.addf %gather3A_657, %mul3A_667 : vector<16xf32>
      %gather3A_669 = tpu.vector_load_idx %arg7[%add3A_25, %broadcast_in_dim3A] : memref<128x201xi32, #tpu.memory_space<vmem>>[vector<16xi32>, vector<16xi32>], vector<16xi32>,
      %gather3A_670 = tpu.vector_load_idx %arg8[%add3A_25, %broadcast_in_dim3A] : memref<128x201xf32, #tpu.memory_space<vmem>>[vector<16xi32>, vector<16xi32>], vector<16xf32>,
      %mul3A_671 = arith.constant 128 : i32
      %mul3A_672 = vector.broadcast %mul3A_671 : i32 to vector<16xi32>
      %mul3A_673 = arith.muli %gather3A_669, %mul3A_672 : vector<16xi32>
      %add3A_674 = arith.addi %mul3A_673, %add3A_25 : vector<16xi32>
      %gather3A_675 = tpu.vector_load_idx %arg9[%add3A_674] : memref<4096xf32, #tpu.memory_space<vmem>>[vector<16xi32>], vector<16xf32>,
      %sub3A_676 = arith.subf %gather3A_670, %gather3A_675 : vector<16xf32>
      %ne3A_677 = arith.cmpf one, %gather3A_670, %gather3A_670 : vector<16xf32>
      %jit3A_678 = arith.constant 0.000000e+00 : f32
      %broadcast_in_dim3A_679 = vector.broadcast %jit3A_678 : f32 to vector<16xf32>
      %select_n3A_680 = arith.select %ne3A_677, %broadcast_in_dim3A_679, %sub3A_676 : vector<16xi1>, vector<16xf32>
      %ge3A_681 = arith.constant 0.000000e+00 : f32
      %ge3A_682 = vector.broadcast %ge3A_681 : f32 to vector<16xf32>
      %ge3A_683 = arith.cmpf oge, %select_n3A_680, %ge3A_682 : vector<16xf32>
      %select_n3A_684 = arith.select %ge3A_683, %get3A_5, %get3A_7 : vector<16xi1>, vector<16xf32>
      %mul3A_685 = arith.mulf %select_n3A_684, %select_n3A_680 : vector<16xf32>
      %add3A_686 = arith.addf %gather3A_675, %mul3A_685 : vector<16xf32>
      %gather3A_687 = tpu.vector_load_idx %arg7[%add3A_28, %broadcast_in_dim3A] : memref<128x201xi32, #tpu.memory_space<vmem>>[vector<16xi32>, vector<16xi32>], vector<16xi32>,
      %gather3A_688 = tpu.vector_load_idx %arg8[%add3A_28, %broadcast_in_dim3A] : memref<128x201xf32, #tpu.memory_space<vmem>>[vector<16xi32>, vector<16xi32>], vector<16xf32>,
      %mul3A_689 = arith.constant 128 : i32
      %mul3A_690 = vector.broadcast %mul3A_689 : i32 to vector<16xi32>
      %mul3A_691 = arith.muli %gather3A_687, %mul3A_690 : vector<16xi32>
      %add3A_692 = arith.addi %mul3A_691, %add3A_28 : vector<16xi32>
      %gather3A_693 = tpu.vector_load_idx %arg9[%add3A_692] : memref<4096xf32, #tpu.memory_space<vmem>>[vector<16xi32>], vector<16xf32>,
      %sub3A_694 = arith.subf %gather3A_688, %gather3A_693 : vector<16xf32>
      %ne3A_695 = arith.cmpf one, %gather3A_688, %gather3A_688 : vector<16xf32>
      %jit3A_696 = arith.constant 0.000000e+00 : f32
      %broadcast_in_dim3A_697 = vector.broadcast %jit3A_696 : f32 to vector<16xf32>
      %select_n3A_698 = arith.select %ne3A_695, %broadcast_in_dim3A_697, %sub3A_694 : vector<16xi1>, vector<16xf32>
      %ge3A_699 = arith.constant 0.000000e+00 : f32
      %ge3A_700 = vector.broadcast %ge3A_699 : f32 to vector<16xf32>
      %ge3A_701 = arith.cmpf oge, %select_n3A_698, %ge3A_700 : vector<16xf32>
      %select_n3A_702 = arith.select %ge3A_701, %get3A_5, %get3A_7 : vector<16xi1>, vector<16xf32>
      %mul3A_703 = arith.mulf %select_n3A_702, %select_n3A_698 : vector<16xf32>
      %add3A_704 = arith.addf %gather3A_693, %mul3A_703 : vector<16xf32>
      %gather3A_705 = tpu.vector_load_idx %arg7[%add3A_31, %broadcast_in_dim3A] : memref<128x201xi32, #tpu.memory_space<vmem>>[vector<16xi32>, vector<16xi32>], vector<16xi32>,
      %gather3A_706 = tpu.vector_load_idx %arg8[%add3A_31, %broadcast_in_dim3A] : memref<128x201xf32, #tpu.memory_space<vmem>>[vector<16xi32>, vector<16xi32>], vector<16xf32>,
      %mul3A_707 = arith.constant 128 : i32
      %mul3A_708 = vector.broadcast %mul3A_707 : i32 to vector<16xi32>
      %mul3A_709 = arith.muli %gather3A_705, %mul3A_708 : vector<16xi32>
      %add3A_710 = arith.addi %mul3A_709, %add3A_31 : vector<16xi32>
      %gather3A_711 = tpu.vector_load_idx %arg9[%add3A_710] : memref<4096xf32, #tpu.memory_space<vmem>>[vector<16xi32>], vector<16xf32>,
      %sub3A_712 = arith.subf %gather3A_706, %gather3A_711 : vector<16xf32>
      %ne3A_713 = arith.cmpf one, %gather3A_706, %gather3A_706 : vector<16xf32>
      %jit3A_714 = arith.constant 0.000000e+00 : f32
      %broadcast_in_dim3A_715 = vector.broadcast %jit3A_714 : f32 to vector<16xf32>
      %select_n3A_716 = arith.select %ne3A_713, %broadcast_in_dim3A_715, %sub3A_712 : vector<16xi1>, vector<16xf32>
      %ge3A_717 = arith.constant 0.000000e+00 : f32
      %ge3A_718 = vector.broadcast %ge3A_717 : f32 to vector<16xf32>
      %ge3A_719 = arith.cmpf oge, %select_n3A_716, %ge3A_718 : vector<16xf32>
      %select_n3A_720 = arith.select %ge3A_719, %get3A_5, %get3A_7 : vector<16xi1>, vector<16xf32>
      %mul3A_721 = arith.mulf %select_n3A_720, %select_n3A_716 : vector<16xf32>
      %add3A_722 = arith.addf %gather3A_711, %mul3A_721 : vector<16xf32>
      %dma_wait3A = arith.constant 0 : i32
      %dma_wait3A_723 = tpu.memref_slice %arg5[%dma_wait3A] : memref<26214400xf32, #tpu.memory_space<hbm>> -> memref<4096xf32, #tpu.memory_space<hbm>>
      %dma_wait3A_724 = arith.constant 0 : i32
      %dma_wait3A_725 = tpu.memref_slice %arg5[%dma_wait3A_724] : memref<26214400xf32, #tpu.memory_space<hbm>> -> memref<4096xf32, #tpu.memory_space<hbm>>
      tpu.wait_dma2 semaphore(%arg10 : memref<!tpu.dma_semaphore, #tpu.memory_space<semaphore_mem>>) src(%arg9 : memref<4096xf32, #tpu.memory_space<vmem>>) dst(%dma_wait3A_725 : memref<4096xf32, #tpu.memory_space<hbm>>)
      tpu.vector_store_idx %arg9[%add3A_589], %add3A_596 : memref<4096xf32, #tpu.memory_space<vmem>>[vector<16xi32>], vector<16xf32>,
      tpu.vector_store_idx %arg9[%add3A_602], %add3A_614 : memref<4096xf32, #tpu.memory_space<vmem>>[vector<16xi32>], vector<16xf32>,
      tpu.vector_store_idx %arg9[%add3A_620], %add3A_632 : memref<4096xf32, #tpu.memory_space<vmem>>[vector<16xi32>], vector<16xf32>,
      tpu.vector_store_idx %arg9[%add3A_638], %add3A_650 : memref<4096xf32, #tpu.memory_space<vmem>>[vector<16xi32>], vector<16xf32>,
      tpu.vector_store_idx %arg9[%add3A_656], %add3A_668 : memref<4096xf32, #tpu.memory_space<vmem>>[vector<16xi32>], vector<16xf32>,
      tpu.vector_store_idx %arg9[%add3A_674], %add3A_686 : memref<4096xf32, #tpu.memory_space<vmem>>[vector<16xi32>], vector<16xf32>,
      tpu.vector_store_idx %arg9[%add3A_692], %add3A_704 : memref<4096xf32, #tpu.memory_space<vmem>>[vector<16xi32>], vector<16xf32>,
      tpu.vector_store_idx %arg9[%add3A_710], %add3A_722 : memref<4096xf32, #tpu.memory_space<vmem>>[vector<16xi32>], vector<16xf32>,
    }
    %scan3A_547 = arith.constant 200 : i32
    return
  }
}

</mosaic_0001>

<sc_bundles>
// kernel: kernel.3.cloned.1.call-start
scs
__scs_entry_jumppad:
0x0: {  	(pc) =	sbr.rel $0x88, $3  }
0x1: {  	(tag) =	ssettag $0x0;
	lr =	simm.s32 $0x1  }
0x2: {  	[smem:$0x3F9C] =	sst lr;
	_ =	strace $0xD0000000  }
0x3: {  	_ = 	snop  }
0x4: {  	_ = 	snop  }
0x5: {  	_ = 	snop  }
0x6: {  	_ = 	snop  }
0x7: {  	_ = 	snop  }
__scs_overlays_trampoline_lowered:
0x8: {  	[smem:$0x3FAB] =	sst s0  }
0x9: {  	[smem:$0x3FAC] =	sst s1  }
0xa: {  	[smem:$0x3FAD] =	sst s2  }
0xb: {  	[smem:$0x3FAE] =	sst s3  }
0xc: {  	[smem:$0x3FAF] =	sst s4  }
0xd: {  	[smem:$0x3FB0] =	sst s5  }
0xe: {  	[smem:$0x3FB1] =	sst s6  }
0xf: {  	[smem:$0x3FB2] =	sst s7  }
0x10: {  	[smem:$0x3FB3] =	sst s8  }
0x11: {  	[smem:$0x3FB4] =	sst s9;
	s0 =	simm.s32 @!p0 $0x0  }
0x12: {  	s1 =	sld [smem:$0x3F9A];
	s0 =	simm.s32 @p0 $0x1  }
0x13: {  	[smem:$0x3FB5] =	sst s0;
	s0 =	simm.s32 @!p1 $0x0  }
0x14: {  	s2 =	sld [smem:$0x3F99];
	s0 =	simm.s32 @p1 $0x1  }
0x15: {  	[smem:$0x3FB6] =	sst s0;
	s0 =	simm.s32 @!p2 $0x0  }
0x16: {  	s3 =	sld [smem:$0x3FDB];
	s0 =	simm.s32 @p2 $0x1  }
0x17: {  	s4 =	simm.s32 $0x1BF5;
	[smem:$0x3FB8] =	sst s0  }
0x18: {  	s0 =	sld [smem:$0x3F9B];
	_ =	swait.ge [sflag:s4], $0x0  }
0x19: {  	s7 =	sld [smem:$0x3F9C]  }
0x1a: {  	s8 =	sadd.s32 $0xFFFFE003, lr  }
0x1b: {  	s9 =	sadd.s32 $0xFFFFFEF7, lr;
	s5 =	simm.s32 $0xFFFFFFFF;
	p2 =	slt.u32 s8, $0xFFFFF086  }
0x1c: {  	p1 =	slt.u32 s9, $0xF7A;
	s5 =	simm.s32 @!p2 $0x0  }
0x1d: {  	s5 =	simm.s32 @p1 $0x1;
	p0 =	seq.s32 s7, s2  }
0x1e: {  	s7 =	smul.u32 @!p0 $0xF7A, s2;
	p2 =	seq.s32 @!p0 s5, $0x0  }
0x1f: {  	s9 =	smul.u32 $0xF7A, s1;
	s8 =	simm.s32 @!p0 $0x1BF5;
	p2 =	por !p2, p0  }
0x20: {  	[sflag:s8] =	ssyncset.s32 @!p0 $0xFFFFF086;
	s6 =	sadd.s32 @!p0 s3, s7;
	s7 =	simm.s32 @!p0 $0x108  }
0x21: {  	s3 =	sadd.s32 s3, s9;
	s6 =	sadd.s32 @!p0 $0x88, s6;
	s7 =	simm.s32 @p2 $0x1082  }
0x22: {  	[simem:s7], [sflag:s8] =	dma.local @!p0 [hbm:s6], $0xF7A  }
0x23: {  	s9 =	sor.u32 $0xD0000000, s2;
	s6 =	simm.s32 $0x108;
	_ =	swait.ge @!p0 [sflag:s8], $0x0  }
0x24: {  	s3 =	sadd.s32 $0x88, s3;
	s6 =	simm.s32 @!p1 $0x1082;
	[sflag:s4] =	ssyncset.s32 $0xFFFFF086  }
0x25: {  	[simem:s6], [sflag:s4] =	dma.local [hbm:s3], $0xF7A  }
0x26: {  	[smem:$0x3F9C] =	sst s1;
	(tag) =	ssettag s2;
	_ =	strace s9  }
0x27: {  	s1 =	sld [smem:$0x3FAC]  }
0x28: {  	s2 =	sld [smem:$0x3FAD]  }
0x29: {  	s4 =	sld [smem:$0x3FAF]  }
0x2a: {  	p0 =	seq.s32 s5, $0x0;
	s5 =	sld [smem:$0x3FB0]  }
0x2b: {  	s6 =	sld [smem:$0x3FB1]  }
0x2c: {  	s7 =	sld [smem:$0x3FB2]  }
0x2d: {  	s3 =	simm.s32 $0x108;
	s8 =	sld [smem:$0x3FB3]  }
0x2e: {  	s3 =	simm.s32 @!p0 $0x1082;
	s9 =	sld [smem:$0x3FB4]  }
0x2f: {  	lr =	sadd.s32 s0, s3;
	s0 =	sld [smem:$0x3FAB]  }
0x30: {  	s3 =	sld [smem:$0x3FAE]  }
0x31: {  	[smem:$0x3FB7] =	sst s10  }
0x32: {  	s10 =	sld [smem:$0x3FB5];
	_ =	sdelay $0x3  }
0x33: {  	p0 =	seq.s32 s10, $0x1;
	s10 =	sld [smem:$0x3FB7];
	_ =	sdelay $0x3  }
0x34: {  	[smem:$0x3FB7] =	sst s10  }
0x35: {  	s10 =	sld [smem:$0x3FB6];
	_ =	sdelay $0x3  }
0x36: {  	p1 =	seq.s32 s10, $0x1;
	s10 =	sld [smem:$0x3FB7];
	_ =	sdelay $0x3  }
0x37: {  	[smem:$0x3FB7] =	sst s10  }
0x38: {  	s10 =	sld [smem:$0x3FB8]  }
0x39: {  	_ = 	snop;
	(pc) =	sbr.ind lr, $3  }
0x3a: {  	_ = 	snop  }
0x3b: {  	_ = 	snop  }
0x3c: {  	p2 =	seq.s32 s10, $0x1;
	s10 =	sld [smem:$0x3FB7]  }
0x3d: {  	_ =	shalt  }
0x3e: {  	_ =	shalt  }
0x3f: {  	_ =	shalt  }
0x40: {  	_ =	shalt  }
0x41: {  	_ =	shalt  }
0x42: {  	_ =	shalt  }
0x43: {  	_ =	shalt  }
0x44: {  	_ =	shalt  }
0x45: {  	_ =	shalt  }
0x46: {  	_ =	shalt  }
0x47: {  	_ =	shalt  }
0x48: {  	_ =	shalt  }
0x49: {  	_ =	shalt  }
0x4a: {  	_ =	shalt  }
0x4b: {  	_ =	shalt  }
0x4c: {  	_ =	shalt  }
0x4d: {  	_ =	shalt  }
0x4e: {  	_ =	shalt  }
0x4f: {  	_ =	shalt  }
0x50: {  	_ =	shalt  }
0x51: {  	_ =	shalt  }
0x52: {  	_ =	shalt  }
0x53: {  	_ =	shalt  }
0x54: {  	_ =	shalt  }
0x55: {  	_ =	shalt  }
0x56: {  	_ =	shalt  }
0x57: {  	_ =	shalt  }
0x58: {  	_ =	shalt  }
0x59: {  	_ =	shalt  }
0x5a: {  	_ =	shalt  }
0x5b: {  	_ =	shalt  }
0x5c: {  	_ =	shalt  }
0x5d: {  	_ =	shalt  }
0x5e: {  	_ =	shalt  }
0x5f: {  	_ =	shalt  }
0x60: {  	_ =	shalt  }
0x61: {  	_ =	shalt  }
0x62: {  	_ =	shalt  }
0x63: {  	_ =	shalt  }
0x64: {  	_ =	shalt  }
0x65: {  	_ =	shalt  }
0x66: {  	_ =	shalt  }
0x67: {  	_ =	shalt  }
0x68: {  	_ =	shalt  }
0x69: {  	_ =	shalt  }
0x6a: {  	_ =	shalt  }
0x6b: {  	_ =	shalt  }
0x6c: {  	_ =	shalt  }
0x6d: {  	_ =	shalt  }
0x6e: {  	_ =	shalt  }
0x6f: {  	_ =	shalt  }
0x70: {  	_ =	shalt  }
0x71: {  	_ =	shalt  }
0x72: {  	_ =	shalt  }
0x73: {  	_ =	shalt  }
0x74: {  	_ =	shalt  }
0x75: {  	_ =	shalt  }
0x76: {  	_ =	shalt  }
0x77: {  	_ =	shalt  }
0x78: {  	_ =	shalt  }
0x79: {  	_ =	shalt  }
0x7a: {  	_ =	shalt  }
0x7b: {  	_ =	shalt  }
0x7c: {  	_ =	shalt  }
0x7d: {  	_ =	shalt  }
0x7e: {  	_ =	shalt  }
0x7f: {  	_ =	shalt  }
0x80: {  	_ =	shalt  }
0x81: {  	_ =	shalt  }
0x82: {  	_ =	shalt  }
0x83: {  	_ =	shalt  }
0x84: {  	_ =	shalt  }
0x85: {  	_ =	shalt  }
0x86: {  	_ =	shalt  }
0x87: {  	_ =	shalt  }
.Lfunc_end0:
.L_simem_size_0:
called_computation_lowered:
.L_overlay_start_0:
0x88: {  	s2 =	sld [smem:$0x3FD9]  }
0x89: {  	s3 =	sld [smem:$0x3FFE];
	_ =	sdelay $0x1  }
0x8a: {  	s1 =	srdreg.scid  }
0x8b: {  	s0 =	sand.u32 $0x1, s1  }
0x8c: {  	s17 =	sshll.u32 s0, $0xA;
	s2 =	sadd.s32 s3, s2  }
0x8d: {  	s2 =	sadd.s32 s2, s17  }
0x8e: {  	[smem:$0x3FC3] =	sst s2  }
0x8f: {  	_ = 	snop  }
0x90: {  	s2 =	sld [smem:$0x3FD0];
	(tm) =	ssettm $0x1  }
0x91: {  	s18 =	sld [smem:$0x3FFB];
	_ =	sdelay $0x3  }
0x92: {  	_ =	strace s18  }
0x93: {  	s3 =	sld [smem:$0x3FFC];
	_ =	sdelay $0x3  }
0x94: {  	_ =	strace s3  }
0x95: {  	s3 =	sld [smem:$0x3FFD];
	_ =	sdelay $0x3  }
0x96: {  	_ =	strace s3  }
0x97: {  	_ =	strace $0x8FFFFFFF  }
0x98: {  	s19 =	sld [smem:$0x3FDB];
	_ =	sdelay $0x1  }
0x99: {  	s4 =	simm.s32 $_scs_section_size  }
0x9a: {  	s5 =	simm.s32 $_size__tile_overlayer_lowered;
	s6 =	simm.s32 $_tile_overlayer_lowered  }
0x9b: {  	s22 =	simm.s32 $0x1BFF;
	s21 =	sshll.u32 s6, $0x1;
	s3 =	sadd.s32 s4, s19  }
0x9c: {  	s7 =	simm.s32 $0x0;
	s20 =	sshll.u32 s5, $0x1;
	s5 =	sadd.s32 s21, s3  }
0x9d: {  	[timem:s7], [sflag:s22] =	dma.local [hbm:s5], s20  }
0x9e: {  	_ =	swait.ge [sflag:s22], s20  }
0x9f: {  	s4 =	ssub.s32 $0x0, s20;
	[sflag:s22] =	ssyncset.done $0x0  }
0xa0: {  	[sflag:s22] =	ssyncadd.s32 s4;
	_ =	sdelay $0x1  }
0xa1: {  	s23 =	simm.s32 $0x1B8B  }
0xa2: {  	_ =	swait.ge [sflag:s23], $0x1  }
0xa3: {  	[sflag:s23] =	ssyncset.done $0x0  }
0xa4: {  	s25 =	simm.s32 $0x1B8E;
	s24 =	sld [smem:$0x3FFE];
	[sflag:s23] =	ssyncadd.s32 $0xFFFFFFFF  }
0xa5: {  	s26 =	simm.s32 $execute0_lowered;
	[smem:$0x3FD2] =	sst s25  }
0xa6: {  	s5 =	sshll.u32 s26, $0x1;
	_ =	strace $0x80000046;
	[dreg:$0x1] =	wrdreg $0xFFFFFFFF  }
0xa7: {  	s28 =	simm.s32 $_size_execute0_lowered;
	s3 =	sadd.s32 s3, s5;
	[dreg:$0x0] =	wrdreg $0x0  }
0xa8: {  	s5 =	sshll.u32 s28, $0x1;
	[dreg:$0x2] =	wrdreg s3  }
0xa9: {  	[dreg:$0x3] =	wrdreg s5  }
0xaa: {  	[dreg:$0x4] =	wrdreg $0xC0  }
0xab: {  	_ =	task [dreg:s7], $0x5FFFF  }
0xac: {  	[dreg:$0x1] =	wrdreg $0xFFFFFFFF  }
0xad: {  	[dreg:$0x0] =	wrdreg $0x60  }
0xae: {  	[dreg:$0x2] =	wrdreg s24  }
0xaf: {  	[dreg:$0x3] =	wrdreg s2  }
0xb0: {  	[dreg:$0x4] =	wrdreg $0x9  }
0xb1: {  	_ =	task.clear_ibuf [dreg:s7], $0x5FFFF;
	_ =	strace $0x90000046  }
0xb2: {  	s29 =	simm.s32 $0x9;
	_ =	strace $0x80000048  }
0xb3: {  	_ =	swait.ge [sflag:s29], $0x1  }
0xb4: {  	[sflag:s29] =	ssyncadd.s32 $0xFFFFFFFF  }
0xb5: {  	_ =	strace $0x90000048  }
0xb6: {  	_ =	sfence  }
0xb7: {  	s30 =	sld [smem:$0x0];
	_ =	sdelay $0x2  }
0xb8: {  	s31 =	sshll.u32 s1, $0xD;
	s1 =	sshrl.u32 s1, $0x2  }
0xb9: {  	s3 =	sand.u32 $0x4000, s31;
	s1 =	sadd.s32 s1, s30  }
0xba: {  	s0 =	sor.u32 s3, s0;
	s1 =	sshll.u32 s1, $0x11  }
0xbb: {  	s0 =	sor.u32 s1, s0  }
0xbc: {  	s0 =	sadd.s32 $0x8F2B, s0  }
0xbd: {  	[sflag:s0] =	ssyncadd.remote.s32 $0x1  }
0xbe: {  	_ =	sfence.sel $0xFFFF  }
0xbf: {  	[dreg:$0x0] =	wrdreg $0xFFFFFFFF;
	(pc) =	sbr.abs _section_cstart, $3  }
0xc0: {  	[dreg:$0x1] =	wrdreg $0xFFFFFFFF  }
0xc1: {  	_ =	task.clear_ibuf [dreg:s7], $0x2FFFF;
	_ =	strace $0x9FFFFFFF  }
0xc2: {  	(tm) =	ssettm $0x7FFFFFFF  }
0xc3: {  	_ =	shalt  }
tec
execute0_lowered:
.L_overlay_start_1:
0x0: {  	(tag) =	ssettag $0x1  }
0x1: {  	s4 =	rddreg [dreg:$0x0]  }
0x2: {  	s1 =	srdreg.scid;
	s0 =	stileid.u32  }
0x3: {  	s5 =	rddreg [dreg:$0x1];
	s2 =	simm.s32 $0x0;
	s11 =	simm.s32 $0xD830  }
0x4: {  	s12 =	simm.s32 $0xDC30;
	s13 =	simm.s32 $0x30;
	s14 =	simm.s32 $0x6830  }
0x5: {  	s15 =	simm.s32 $0x1;
	s6 =	sand.u32 $0x1, s1;
	s1 =	rddreg [dreg:$0x2]  }
0x6: {  	s16 =	simm.s32 $0x0;
	s3 =	sshll.u32 s0, $0x1;
	[smem:$0x7FF] =	sst s2  }
0x7: {  	v0 =	vlaneseq.u32;
	s31 =	sshll.u32 s0, $0x8;
	s3 =	sor.u32 s6, s3;
	s8 =	ssub.s32 $0x2, s6  }
0x8: {  	v1 =	vmul.u32 $0xD0, v0;
	v3 =	vor.u32 $0x10, v0;
	v5 =	vor.u32 $0x20, v0;
	_ =	strace $0x80000047;
	s7 =	smul.u32 $0xC80, s3;
	s9 =	sshrl.u32 s8, $0x1  }
0x9: {  	v7 =	vor.u32 $0x30, v0;
	v9 =	vor.u32 $0x40, v0;
	v11 =	vor.u32 $0x50, v0;
	s10 =	sshll.u32 s6, $0x7;
	s3 =	sadd.s32 $0x32600, s4;
	s8 =	ssub.s32 s8, s9  }
0xa: {  	v13 =	vor.u32 $0x60, v0;
	v15 =	vor.u32 $0x70, v0;
	v2 =	vadd.s32 $0xD00, v1;
	s9 =	sadd.s32 s31, s5;
	s7 =	sadd.s32 s7, s4;
	s6 =	smax.u32 s8, $0x1  }
0xb: {  	v4 =	vadd.s32 $0x1A00, v1;
	v6 =	vadd.s32 $0x2700, v1;
	v8 =	vadd.s32 $0x3400, v1;
	s8 =	simm.s32 $0x2;
	s4 =	sadd.s32 $0x600, s7;
	s5 =	sadd.s32 $0x19600, s7  }
0xc: {  	v10 =	vadd.s32 $0x4100, v1;
	v12 =	vadd.s32 $0x4E00, v1;
	v14 =	vadd.s32 $0x5B00, v1;
	s7 =	sadd.s32 s10, s9;
	s9 =	simm.s32 $0xD030;
	s10 =	simm.s32 $0xD430  }
.LBB2_1:
0xd: {  	[tilespmem:s2], [sflag:$0x2] =	stream.linear.gather [hbm4b:s3+s2], $0x30, $0x38;
	[tilespmem:$0xE030] =	vst v63  }
0xe: {  	_ =	swait.ge [sflag:s8], $0x30  }
0xf: {  	[sflag:s8] =	ssyncset.done $0x0  }
0x10: {  	[sflag:s8] =	ssyncadd.s32 $0xFFFFFFD0  }
0x11: {  	v16 =	vld [tilespmem:$0x10]  }
0x12: {  	v17 =	vld [tilespmem:$0x20];
	_ =	sdelay $0x1  }
0x13: {  	s17 =	simm.s32 $0x19  }
0x14: {  	s20 =	sadd.s32 $0x0, s4;
	s18 =	simm.s32 $0x100;
	s19 =	simm.s32 $0x30;
	v18 =	vld [tilespmem:$0x0]  }
.LBB2_2:
0x15: {  	[tilespmem:s19], [sflag:$0x2] =	stream.linear.gather [hbm4b:s20+s2], $0xC8, $0x38;
	[tilespmem:$0xE030] =	vst v63  }
0x16: {  	s20 =	smov.u32 s17;
	s19 =	smov.u32 s18;
	p0 =	sne.s32 s17, $0xC67  }
.Ltmp0:
0x17: {  	s17 =	sadd.s32 $0x19, s17;
	(pc) =	sbr.rel @p0 .LBB2_2-.Ltmp0, $2  }
0x18: {  	_ =	sdelay $0x2  }
0x19: {  	s18 =	sadd.s32 $0xD0, s18;
	s20 =	sadd.s32 s20, s4  }
0x1a: {  	[tilespmem:s19], [sflag:$0x2] =	stream.linear.gather [hbm4b:s20+s2], $0xC8, $0x38;
	[tilespmem:$0xE030] =	vst v63  }
0x1b: {  	_ =	swait.ge [sflag:s8], $0x6400  }
0x1c: {  	s17 =	simm.s32 $0x6830;
	s18 =	simm.s32 $0x19;
	[sflag:s8] =	ssyncset.done $0x0  }
0x1d: {  	s20 =	sadd.s32 $0x0, s5;
	s19 =	simm.s32 $0x6900;
	[sflag:s8] =	ssyncadd.s32 $0xFFFF9C00  }
.LBB2_4:
0x1e: {  	[tilespmem:s17], [sflag:$0x2] =	stream.linear.gather [hbm4b:s20+s2], $0xC8, $0x38;
	[tilespmem:$0xE030] =	vst v63  }
0x1f: {  	s20 =	smov.u32 s18;
	s17 =	smov.u32 s19;
	p0 =	sne.s32 s18, $0xC67  }
.Ltmp1:
0x20: {  	s18 =	sadd.s32 $0x19, s18;
	(pc) =	sbr.rel @p0 .LBB2_4-.Ltmp1, $2  }
0x21: {  	_ =	sdelay $0x2  }
0x22: {  	s19 =	sadd.s32 $0xD0, s19;
	s20 =	sadd.s32 s20, s5  }
0x23: {  	[tilespmem:s17], [sflag:$0x2] =	stream.linear.gather [hbm4b:s20+s2], $0xC8, $0x38;
	[tilespmem:$0xE030] =	vst v63  }
0x24: {  	_ =	swait.ge [sflag:s8], $0x6400  }
0x25: {  	[sflag:s8] =	ssyncset.done $0x0  }
0x26: {  	[sflag:s8] =	ssyncadd.s32 $0xFFFF9C00  }
0x27: {  	[tilespmem:$0xD030] =	vst v18  }
0x28: {  	[tilespmem:$0xD040] =	vst v18  }
0x29: {  	[tilespmem:$0xD050] =	vst v18  }
0x2a: {  	[tilespmem:$0xD060] =	vst v18  }
0x2b: {  	[tilespmem:$0xD070] =	vst v18  }
0x2c: {  	[tilespmem:$0xD080] =	vst v18  }
0x2d: {  	[tilespmem:$0xD090] =	vst v18  }
0x2e: {  	[tilespmem:$0xD0A0] =	vst v18  }
0x2f: {  	[tilespmem:$0xD0B0] =	vst v18  }
0x30: {  	[tilespmem:$0xD0C0] =	vst v18  }
0x31: {  	[tilespmem:$0xD0D0] =	vst v18  }
0x32: {  	[tilespmem:$0xD0E0] =	vst v18  }
0x33: {  	[tilespmem:$0xD0F0] =	vst v18  }
0x34: {  	[tilespmem:$0xD100] =	vst v18  }
0x35: {  	[tilespmem:$0xD110] =	vst v18  }
0x36: {  	[tilespmem:$0xD120] =	vst v18  }
0x37: {  	[tilespmem:$0xD130] =	vst v18  }
0x38: {  	[tilespmem:$0xD140] =	vst v18  }
0x39: {  	[tilespmem:$0xD150] =	vst v18  }
0x3a: {  	[tilespmem:$0xD160] =	vst v18  }
0x3b: {  	[tilespmem:$0xD170] =	vst v18  }
0x3c: {  	[tilespmem:$0xD180] =	vst v18  }
0x3d: {  	[tilespmem:$0xD190] =	vst v18  }
0x3e: {  	[tilespmem:$0xD1A0] =	vst v18  }
0x3f: {  	[tilespmem:$0xD1B0] =	vst v18  }
0x40: {  	[tilespmem:$0xD1C0] =	vst v18  }
0x41: {  	[tilespmem:$0xD1D0] =	vst v18  }
0x42: {  	[tilespmem:$0xD1E0] =	vst v18  }
0x43: {  	[tilespmem:$0xD1F0] =	vst v18  }
0x44: {  	[tilespmem:$0xD200] =	vst v18  }
0x45: {  	[tilespmem:$0xD210] =	vst v18  }
0x46: {  	[tilespmem:$0xD220] =	vst v18  }
0x47: {  	[tilespmem:$0xD230] =	vst v18  }
0x48: {  	[tilespmem:$0xD240] =	vst v18  }
0x49: {  	[tilespmem:$0xD250] =	vst v18  }
0x4a: {  	[tilespmem:$0xD260] =	vst v18  }
0x4b: {  	[tilespmem:$0xD270] =	vst v18  }
0x4c: {  	[tilespmem:$0xD280] =	vst v18  }
0x4d: {  	[tilespmem:$0xD290] =	vst v18  }
0x4e: {  	[tilespmem:$0xD2A0] =	vst v18  }
0x4f: {  	[tilespmem:$0xD2B0] =	vst v18  }
0x50: {  	[tilespmem:$0xD2C0] =	vst v18  }
0x51: {  	[tilespmem:$0xD2D0] =	vst v18  }
0x52: {  	[tilespmem:$0xD2E0] =	vst v18  }
0x53: {  	[tilespmem:$0xD2F0] =	vst v18  }
0x54: {  	[tilespmem:$0xD300] =	vst v18  }
0x55: {  	[tilespmem:$0xD310] =	vst v18  }
0x56: {  	[tilespmem:$0xD320] =	vst v18  }
0x57: {  	[tilespmem:$0xD330] =	vst v18  }
0x58: {  	[tilespmem:$0xD340] =	vst v18  }
0x59: {  	[tilespmem:$0xD350] =	vst v18  }
0x5a: {  	[tilespmem:$0xD360] =	vst v18  }
0x5b: {  	[tilespmem:$0xD370] =	vst v18  }
0x5c: {  	[tilespmem:$0xD380] =	vst v18  }
0x5d: {  	[tilespmem:$0xD390] =	vst v18  }
0x5e: {  	[tilespmem:$0xD3A0] =	vst v18  }
0x5f: {  	[tilespmem:$0xD3B0] =	vst v18  }
0x60: {  	[tilespmem:$0xD3C0] =	vst v18  }
0x61: {  	[tilespmem:$0xD3D0] =	vst v18  }
0x62: {  	[tilespmem:$0xD3E0] =	vst v18  }
0x63: {  	[tilespmem:$0xD3F0] =	vst v18  }
0x64: {  	[tilespmem:$0xD400] =	vst v18  }
0x65: {  	[tilespmem:$0xD410] =	vst v18  }
0x66: {  	[tilespmem:$0xD420] =	vst v18  }
0x67: {  	[tilespmem:$0xD430] =	vst v18  }
0x68: {  	[tilespmem:$0xD440] =	vst v18  }
0x69: {  	[tilespmem:$0xD450] =	vst v18  }
0x6a: {  	[tilespmem:$0xD460] =	vst v18  }
0x6b: {  	[tilespmem:$0xD470] =	vst v18  }
0x6c: {  	[tilespmem:$0xD480] =	vst v18  }
0x6d: {  	[tilespmem:$0xD490] =	vst v18  }
0x6e: {  	[tilespmem:$0xD4A0] =	vst v18  }
0x6f: {  	[tilespmem:$0xD4B0] =	vst v18  }
0x70: {  	[tilespmem:$0xD4C0] =	vst v18  }
0x71: {  	[tilespmem:$0xD4D0] =	vst v18  }
0x72: {  	[tilespmem:$0xD4E0] =	vst v18  }
0x73: {  	[tilespmem:$0xD4F0] =	vst v18  }
0x74: {  	[tilespmem:$0xD500] =	vst v18  }
0x75: {  	[tilespmem:$0xD510] =	vst v18  }
0x76: {  	[tilespmem:$0xD520] =	vst v18  }
0x77: {  	[tilespmem:$0xD530] =	vst v18  }
0x78: {  	[tilespmem:$0xD540] =	vst v18  }
0x79: {  	[tilespmem:$0xD550] =	vst v18  }
0x7a: {  	[tilespmem:$0xD560] =	vst v18  }
0x7b: {  	[tilespmem:$0xD570] =	vst v18  }
0x7c: {  	[tilespmem:$0xD580] =	vst v18  }
0x7d: {  	[tilespmem:$0xD590] =	vst v18  }
0x7e: {  	[tilespmem:$0xD5A0] =	vst v18  }
0x7f: {  	[tilespmem:$0xD5B0] =	vst v18  }
0x80: {  	[tilespmem:$0xD5C0] =	vst v18  }
0x81: {  	[tilespmem:$0xD5D0] =	vst v18  }
0x82: {  	[tilespmem:$0xD5E0] =	vst v18  }
0x83: {  	[tilespmem:$0xD5F0] =	vst v18  }
0x84: {  	[tilespmem:$0xD600] =	vst v18  }
0x85: {  	[tilespmem:$0xD610] =	vst v18  }
0x86: {  	[tilespmem:$0xD620] =	vst v18  }
0x87: {  	[tilespmem:$0xD630] =	vst v18  }
0x88: {  	[tilespmem:$0xD640] =	vst v18  }
0x89: {  	[tilespmem:$0xD650] =	vst v18  }
0x8a: {  	[tilespmem:$0xD660] =	vst v18  }
0x8b: {  	[tilespmem:$0xD670] =	vst v18  }
0x8c: {  	[tilespmem:$0xD680] =	vst v18  }
0x8d: {  	[tilespmem:$0xD690] =	vst v18  }
0x8e: {  	[tilespmem:$0xD6A0] =	vst v18  }
0x8f: {  	[tilespmem:$0xD6B0] =	vst v18  }
0x90: {  	[tilespmem:$0xD6C0] =	vst v18  }
0x91: {  	[tilespmem:$0xD6D0] =	vst v18  }
0x92: {  	[tilespmem:$0xD6E0] =	vst v18  }
0x93: {  	[tilespmem:$0xD6F0] =	vst v18  }
0x94: {  	[tilespmem:$0xD700] =	vst v18  }
0x95: {  	[tilespmem:$0xD710] =	vst v18  }
0x96: {  	[tilespmem:$0xD720] =	vst v18  }
0x97: {  	[tilespmem:$0xD730] =	vst v18  }
0x98: {  	[tilespmem:$0xD740] =	vst v18  }
0x99: {  	[tilespmem:$0xD750] =	vst v18  }
0x9a: {  	[tilespmem:$0xD760] =	vst v18  }
0x9b: {  	[tilespmem:$0xD770] =	vst v18  }
0x9c: {  	[tilespmem:$0xD780] =	vst v18  }
0x9d: {  	[tilespmem:$0xD790] =	vst v18  }
0x9e: {  	[tilespmem:$0xD7A0] =	vst v18  }
0x9f: {  	[tilespmem:$0xD7B0] =	vst v18  }
0xa0: {  	[tilespmem:$0xD7C0] =	vst v18  }
0xa1: {  	[tilespmem:$0xD7D0] =	vst v18  }
0xa2: {  	[tilespmem:$0xD7E0] =	vst v18  }
0xa3: {  	[tilespmem:$0xD7F0] =	vst v18  }
0xa4: {  	[tilespmem:$0xD800] =	vst v18  }
0xa5: {  	[tilespmem:$0xD810] =	vst v18  }
0xa6: {  	[tilespmem:$0xD820] =	vst v18  }
0xa7: {  	[tilespmem:$0xD830] =	vst v18  }
0xa8: {  	[tilespmem:$0xD840] =	vst v18  }
0xa9: {  	[tilespmem:$0xD850] =	vst v18  }
0xaa: {  	[tilespmem:$0xD860] =	vst v18  }
0xab: {  	[tilespmem:$0xD870] =	vst v18  }
0xac: {  	[tilespmem:$0xD880] =	vst v18  }
0xad: {  	[tilespmem:$0xD890] =	vst v18  }
0xae: {  	[tilespmem:$0xD8A0] =	vst v18  }
0xaf: {  	[tilespmem:$0xD8B0] =	vst v18  }
0xb0: {  	[tilespmem:$0xD8C0] =	vst v18  }
0xb1: {  	[tilespmem:$0xD8D0] =	vst v18  }
0xb2: {  	[tilespmem:$0xD8E0] =	vst v18  }
0xb3: {  	[tilespmem:$0xD8F0] =	vst v18  }
0xb4: {  	[tilespmem:$0xD900] =	vst v18  }
0xb5: {  	[tilespmem:$0xD910] =	vst v18  }
0xb6: {  	[tilespmem:$0xD920] =	vst v18  }
0xb7: {  	[tilespmem:$0xD930] =	vst v18  }
0xb8: {  	[tilespmem:$0xD940] =	vst v18  }
0xb9: {  	[tilespmem:$0xD950] =	vst v18  }
0xba: {  	[tilespmem:$0xD960] =	vst v18  }
0xbb: {  	[tilespmem:$0xD970] =	vst v18  }
0xbc: {  	[tilespmem:$0xD980] =	vst v18  }
0xbd: {  	[tilespmem:$0xD990] =	vst v18  }
0xbe: {  	[tilespmem:$0xD9A0] =	vst v18  }
0xbf: {  	[tilespmem:$0xD9B0] =	vst v18  }
0xc0: {  	[tilespmem:$0xD9C0] =	vst v18  }
0xc1: {  	[tilespmem:$0xD9D0] =	vst v18  }
0xc2: {  	[tilespmem:$0xD9E0] =	vst v18  }
0xc3: {  	[tilespmem:$0xD9F0] =	vst v18  }
0xc4: {  	[tilespmem:$0xDA00] =	vst v18  }
0xc5: {  	[tilespmem:$0xDA10] =	vst v18  }
0xc6: {  	[tilespmem:$0xDA20] =	vst v18  }
0xc7: {  	[tilespmem:$0xDA30] =	vst v18  }
0xc8: {  	[tilespmem:$0xDA40] =	vst v18  }
0xc9: {  	[tilespmem:$0xDA50] =	vst v18  }
0xca: {  	[tilespmem:$0xDA60] =	vst v18  }
0xcb: {  	[tilespmem:$0xDA70] =	vst v18  }
0xcc: {  	[tilespmem:$0xDA80] =	vst v18  }
0xcd: {  	[tilespmem:$0xDA90] =	vst v18  }
0xce: {  	[tilespmem:$0xDAA0] =	vst v18  }
0xcf: {  	[tilespmem:$0xDAB0] =	vst v18  }
0xd0: {  	[tilespmem:$0xDAC0] =	vst v18  }
0xd1: {  	[tilespmem:$0xDAD0] =	vst v18  }
0xd2: {  	[tilespmem:$0xDAE0] =	vst v18  }
0xd3: {  	[tilespmem:$0xDAF0] =	vst v18  }
0xd4: {  	[tilespmem:$0xDB00] =	vst v18  }
0xd5: {  	[tilespmem:$0xDB10] =	vst v18  }
0xd6: {  	[tilespmem:$0xDB20] =	vst v18  }
0xd7: {  	[tilespmem:$0xDB30] =	vst v18  }
0xd8: {  	[tilespmem:$0xDB40] =	vst v18  }
0xd9: {  	[tilespmem:$0xDB50] =	vst v18  }
0xda: {  	[tilespmem:$0xDB60] =	vst v18  }
0xdb: {  	[tilespmem:$0xDB70] =	vst v18  }
0xdc: {  	[tilespmem:$0xDB80] =	vst v18  }
0xdd: {  	[tilespmem:$0xDB90] =	vst v18  }
0xde: {  	[tilespmem:$0xDBA0] =	vst v18  }
0xdf: {  	[tilespmem:$0xDBB0] =	vst v18  }
0xe0: {  	[tilespmem:$0xDBC0] =	vst v18  }
0xe1: {  	[tilespmem:$0xDBD0] =	vst v18  }
0xe2: {  	[tilespmem:$0xDBE0] =	vst v18  }
0xe3: {  	[tilespmem:$0xDBF0] =	vst v18  }
0xe4: {  	[tilespmem:$0xDC00] =	vst v18  }
0xe5: {  	[tilespmem:$0xDC10] =	vst v18  }
0xe6: {  	[tilespmem:$0xDC20] =	vst v18  }
0xe7: {  	[tilespmem:$0xDC30] =	vst v18  }
0xe8: {  	[tilespmem:$0xDC40] =	vst v18  }
0xe9: {  	[tilespmem:$0xDC50] =	vst v18  }
0xea: {  	[tilespmem:$0xDC60] =	vst v18  }
0xeb: {  	[tilespmem:$0xDC70] =	vst v18  }
0xec: {  	[tilespmem:$0xDC80] =	vst v18  }
0xed: {  	[tilespmem:$0xDC90] =	vst v18  }
0xee: {  	[tilespmem:$0xDCA0] =	vst v18  }
0xef: {  	[tilespmem:$0xDCB0] =	vst v18  }
0xf0: {  	[tilespmem:$0xDCC0] =	vst v18  }
0xf1: {  	[tilespmem:$0xDCD0] =	vst v18  }
0xf2: {  	[tilespmem:$0xDCE0] =	vst v18  }
0xf3: {  	[tilespmem:$0xDCF0] =	vst v18  }
0xf4: {  	[tilespmem:$0xDD00] =	vst v18  }
0xf5: {  	[tilespmem:$0xDD10] =	vst v18  }
0xf6: {  	[tilespmem:$0xDD20] =	vst v18  }
0xf7: {  	[tilespmem:$0xDD30] =	vst v18  }
0xf8: {  	[tilespmem:$0xDD40] =	vst v18  }
0xf9: {  	[tilespmem:$0xDD50] =	vst v18  }
0xfa: {  	[tilespmem:$0xDD60] =	vst v18  }
0xfb: {  	[tilespmem:$0xDD70] =	vst v18  }
0xfc: {  	[tilespmem:$0xDD80] =	vst v18  }
0xfd: {  	[tilespmem:$0xDD90] =	vst v18  }
0xfe: {  	[tilespmem:$0xDDA0] =	vst v18  }
0xff: {  	[tilespmem:$0xDDB0] =	vst v18  }
0x100: {  	[tilespmem:$0xDDC0] =	vst v18  }
0x101: {  	[tilespmem:$0xDDD0] =	vst v18  }
0x102: {  	[tilespmem:$0xDDE0] =	vst v18  }
0x103: {  	[tilespmem:$0xDDF0] =	vst v18  }
0x104: {  	[tilespmem:$0xDE00] =	vst v18  }
0x105: {  	[tilespmem:$0xDE10] =	vst v18  }
0x106: {  	[tilespmem:$0xDE20] =	vst v18  }
0x107: {  	[tilespmem:$0xDE30] =	vst v18  }
0x108: {  	[tilespmem:$0xDE40] =	vst v18  }
0x109: {  	[tilespmem:$0xDE50] =	vst v18  }
0x10a: {  	[tilespmem:$0xDE60] =	vst v18  }
0x10b: {  	[tilespmem:$0xDE70] =	vst v18  }
0x10c: {  	[tilespmem:$0xDE80] =	vst v18  }
0x10d: {  	[tilespmem:$0xDE90] =	vst v18  }
0x10e: {  	[tilespmem:$0xDEA0] =	vst v18  }
0x10f: {  	[tilespmem:$0xDEB0] =	vst v18  }
0x110: {  	[tilespmem:$0xDEC0] =	vst v18  }
0x111: {  	[tilespmem:$0xDED0] =	vst v18  }
0x112: {  	[tilespmem:$0xDEE0] =	vst v18  }
0x113: {  	[tilespmem:$0xDEF0] =	vst v18  }
0x114: {  	[tilespmem:$0xDF00] =	vst v18  }
0x115: {  	[tilespmem:$0xDF10] =	vst v18  }
0x116: {  	[tilespmem:$0xDF20] =	vst v18  }
0x117: {  	[tilespmem:$0xDF30] =	vst v18  }
0x118: {  	[tilespmem:$0xDF40] =	vst v18  }
0x119: {  	[tilespmem:$0xDF50] =	vst v18  }
0x11a: {  	[tilespmem:$0xDF60] =	vst v18  }
0x11b: {  	[tilespmem:$0xDF70] =	vst v18  }
0x11c: {  	[tilespmem:$0xDF80] =	vst v18  }
0x11d: {  	[tilespmem:$0xDF90] =	vst v18  }
0x11e: {  	[tilespmem:$0xDFA0] =	vst v18  }
0x11f: {  	[tilespmem:$0xDFB0] =	vst v18  }
0x120: {  	[tilespmem:$0xDFC0] =	vst v18  }
0x121: {  	[tilespmem:$0xDFD0] =	vst v18  }
0x122: {  	[tilespmem:$0xDFE0] =	vst v18  }
0x123: {  	[tilespmem:$0xDFF0] =	vst v18  }
0x124: {  	[tilespmem:$0xE000] =	vst v18  }
0x125: {  	[tilespmem:$0xE020] =	vst v18  }
0x126: {  	s26 =	simm.s32 $0x0;
	s18 =	sadd.s32 $0x0, s7;
	[tilespmem:$0xE010] =	vst v18  }
0x127: {  	v18 =	vmov s26;
	[hbm4b:s18+s2] =	stream.linear.scatter [tilespmem:s9], [sflag:$0x1], $0x400, $0x38;
	[tilespmem:$0xE030] =	vst v63  }
0x128: {  	s28 =	sadd.s32 $0x1000, s18;
	v18 =	vand.u32 $0xFF, v18  }
0x129: {  	v19 =	vadd.s32 v4, v18;
	[hbm4b:s28+s2] =	stream.linear.scatter [tilespmem:s10], [sflag:$0x1], $0x400, $0x38;
	[tilespmem:$0xE030] =	vst v63  }
0x12a: {  	s29 =	sadd.s32 $0x2000, s18;
	v20 =	vadd.s32 v1, v18  }
0x12b: {  	v21 =	vadd.s32 v2, v18;
	[hbm4b:s29+s2] =	stream.linear.scatter [tilespmem:s11], [sflag:$0x1], $0x400, $0x38;
	[tilespmem:$0xE030] =	vst v63  }
0x12c: {  	s30 =	sadd.s32 $0x3000, s18;
	v22 =	vadd.s32 v10, v18  }
0x12d: {  	v23 =	vadd.s32 v6, v18;
	[hbm4b:s30+s2] =	stream.linear.scatter [tilespmem:s12], [sflag:$0x1], $0x400, $0x38;
	[tilespmem:$0xE030] =	vst v63  }
0x12e: {  	v25 =	vadd.s32 v12, v18;
	v24 =	vld.idx.msk [tilespmem:v19+s13+$0x0], $0xffff  }
0x12f: {  	v26 =	vadd.s32 v8, v18;
	v27 =	vld.idx.msk [tilespmem:v20+s13+$0x0], $0xffff  }
0x130: {  	v38 =	vadd.s32 v14, v18;
	v28 =	vld.idx.msk [tilespmem:v21+s13+$0x0], $0xffff  }
0x131: {  	v18 =	vld.idx.msk [tilespmem:v22+s13+$0x0], $0xffff  }
0x132: {  	v29 =	vld.idx.msk [tilespmem:v23+s13+$0x0], $0xffff  }
0x133: {  	v35 =	vld.idx.msk [tilespmem:v25+s13+$0x0], $0xffff  }
0x134: {  	v34 =	vld.idx.msk [tilespmem:v26+s13+$0x0], $0xffff  }
0x135: {  	v36 =	vld.idx.msk [tilespmem:v38+s13+$0x0], $0xffff;
	v27 =	vshll.u32 v27, $0x7  }
0x136: {  	v39 =	vld.idx.msk [tilespmem:v20+s14+$0x0], $0xffff;
	v20 =	vshll.u32 v28, $0x7;
	v42 =	vor.u32 v0, v27  }
0x137: {  	v40 =	vld.idx.msk [tilespmem:v21+s14+$0x0], $0xffff;
	v24 =	vshll.u32 v24, $0x7;
	v44 =	vor.u32 v3, v20  }
0x138: {  	s31 =	simm.s32 $0x1;
	v41 =	vld.idx.msk [tilespmem:v19+s14+$0x0], $0xffff;
	v19 =	vshll.u32 v29, $0x7;
	v18 =	vshll.u32 v18, $0x7;
	v45 =	vor.u32 v5, v24  }
0x139: {  	s18 =	simm.s32 $0x2;
	v43 =	vld.idx.msk [tilespmem:v23+s14+$0x0], $0xffff;
	v20 =	vmov s31;
	v47 =	vor.u32 v7, v19;
	v19 =	vshll.u32 v34, $0x7  }
0x13a: {  	v46 =	vld.idx.msk [tilespmem:v26+s14+$0x0], $0xffff;
	v32 =	vand.u32 $0xFF, v20;
	v34 =	vor.u32 v9, v19;
	v19 =	vmov s18  }
0x13b: {  	v20 =	vshll.u32 v35, $0x7;
	v35 =	vor.u32 v11, v18;
	v28 =	vadd.s32 v4, v32;
	v48 =	vld.idx.msk [tilespmem:v42+s9+$0x0], $0xffff  }
0x13c: {  	v26 =	vadd.s32 v10, v32;
	v33 =	vadd.s32 v1, v32;
	v31 =	vadd.s32 v2, v32;
	v49 =	vld.idx.msk [tilespmem:v44+s9+$0x0], $0xffff  }
0x13d: {  	v30 =	vadd.s32 v6, v32;
	v29 =	vadd.s32 v8, v32;
	v27 =	vadd.s32 v12, v32;
	v50 =	vld.idx.msk [tilespmem:v45+s9+$0x0], $0xffff  }
0x13e: {  	v24 =	vand.u32 $0xFF, v19;
	v19 =	vshll.u32 v36, $0x7;
	v36 =	vor.u32 v13, v20;
	v51 =	vld.idx.msk [tilespmem:v47+s9+$0x0], $0xffff  }
0x13f: {  	v52 =	vld.idx.msk [tilespmem:v22+s14+$0x0], $0xffff;
	v20 =	vadd.s32 v4, v24;
	v18 =	vadd.s32 v10, v24;
	v37 =	vor.u32 v15, v19  }
0x140: {  	v53 =	vld.idx.msk [tilespmem:v25+s14+$0x0], $0xffff;
	v25 =	vadd.s32 v1, v24;
	v23 =	vadd.s32 v2, v24;
	v54 =	vsub.f32 v39, v48  }
0x141: {  	v55 =	vld.idx.msk [tilespmem:v38+s14+$0x0], $0xffff;
	v22 =	vadd.s32 v6, v24;
	v21 =	vadd.s32 v8, v24;
	v56 =	vsub.f32 v40, v49  }
0x142: {  	v19 =	vadd.s32 v12, v24;
	v38 =	vld.idx.msk [tilespmem:v34+s9+$0x0], $0xffff;
	v57 =	vsub.f32 v41, v50;
	vm0 =	vge.f32 v54, $0.0e+00  }
0x143: {  	v39 =	vld.idx.msk [tilespmem:v35+s9+$0x0], $0xffff;
	v43 =	vsub.f32 v43, v51;
	v61 =	vsel vm0, v16, v17;
	vm0 =	vge.f32 v56, $0.0e+00  }
0x144: {  	v40 =	vld.idx.msk [tilespmem:v36+s9+$0x0], $0xffff;
	v54 =	vmul.f32 v61, v54;
	v58 =	vsel vm0, v16, v17;
	vm0 =	vge.f32 v57, $0.0e+00  }
0x145: {  	v41 =	vld.idx.msk [tilespmem:v37+s9+$0x0], $0xffff;
	_ =	swait.ge [sflag:s15], $0x1000;
	v56 =	vmul.f32 v58, v56;
	v62 =	vsel vm0, v16, v17;
	vm0 =	vge.f32 v43, $0.0e+00  }
0x146: {  	[sflag:s15] =	ssyncset.done $0x0;
	v48 =	vadd.f32 v54, v48;
	v63 =	vmul.f32 v62, v57;
	v60 =	vsel vm0, v16, v17  }
0x147: {  	v46 =	vsub.f32 v46, v38;
	[sflag:s15] =	ssyncadd.s32 $0xFFFFF000;
	v49 =	vadd.f32 v56, v49;
	v61 =	vmul.f32 v60, v43  }
0x148: {  	v43 =	vsub.f32 v52, v39;
	v50 =	vadd.f32 v63, v50;
	[tilespmem:v42+s9+$0x0] =	vst.idx.msk $0xffff, v48  }
0x149: {  	vm0 =	vge.f32 v46, $0.0e+00;
	v42 =	vsub.f32 v53, v40;
	v62 =	vadd.f32 v61, v51;
	[tilespmem:v44+s9+$0x0] =	vst.idx.msk $0xffff, v49  }
0x14a: {  	v63 =	vsel vm0, v16, v17;
	vm0 =	vge.f32 v43, $0.0e+00;
	v44 =	vsub.f32 v55, v41;
	[tilespmem:v45+s9+$0x0] =	vst.idx.msk $0xffff, v50  }
0x14b: {  	s19 =	simm.s32 $0x4000;
	s17 =	simm.s32 $0x8000;
	s20 =	simm.s32 $0xC000;
	v45 =	vmul.f32 v63, v46;
	v46 =	vsel vm0, v16, v17;
	vm0 =	vge.f32 v42, $0.0e+00;
	[tilespmem:v47+s9+$0x0] =	vst.idx.msk $0xffff, v62  }
.LBB2_6:
0x14c: {  	p0 =	sne.s32 s20, $0x31C000  }
0x14d: {  	s18 =	sadd.s32 $0x1, s18;
	v43 =	vmul.f32 v46, v43;
	v46 =	vsel vm0, v16, v17;
	vm0 =	vge.f32 v44, $0.0e+00;
	s21 =	smov.u32 s20;
	s20 =	sadd.s32 $0x4000, s20  }
0x14e: {  	v38 =	vadd.f32 v45, v38;
	v42 =	vmul.f32 v46, v42;
	v45 =	vsel vm0, v16, v17  }
0x14f: {  	v39 =	vadd.f32 v43, v39;
	v43 =	vmul.f32 v45, v44  }
0x150: {  	v40 =	vadd.f32 v42, v40;
	[tilespmem:v34+s9+$0x0] =	vst.idx.msk $0xffff, v38  }
0x151: {  	v34 =	vadd.f32 v43, v41;
	[tilespmem:v35+s9+$0x0] =	vst.idx.msk $0xffff, v39  }
0x152: {  	v35 =	vmov s18;
	[tilespmem:v36+s9+$0x0] =	vst.idx.msk $0xffff, v40  }
0x153: {  	s22 =	sadd.s32 s19, s7;
	s19 =	smov.u32 s17;
	s17 =	smov.u32 s21;
	v35 =	vand.u32 $0xFF, v35;
	[tilespmem:v37+s9+$0x0] =	vst.idx.msk $0xffff, v34  }
0x154: {  	v34 =	vadd.s32 v4, v35;
	v37 =	vadd.s32 v10, v35;
	[hbm4b:s22+s2] =	stream.linear.scatter [tilespmem:s9], [sflag:$0x1], $0x400, $0x38;
	[tilespmem:$0xE030] =	vst v63  }
0x155: {  	s21 =	sadd.s32 $0x1000, s22;
	v36 =	vadd.s32 v1, v35  }
0x156: {  	v38 =	vadd.s32 v2, v35;
	[hbm4b:s21+s2] =	stream.linear.scatter [tilespmem:s10], [sflag:$0x1], $0x400, $0x38;
	[tilespmem:$0xE030] =	vst v63  }
0x157: {  	v39 =	vadd.s32 v6, v35;
	s21 =	sadd.s32 $0x2000, s22  }
0x158: {  	v40 =	vadd.s32 v8, v35;
	[hbm4b:s21+s2] =	stream.linear.scatter [tilespmem:s11], [sflag:$0x1], $0x400, $0x38;
	[tilespmem:$0xE030] =	vst v63  }
0x159: {  	s21 =	sadd.s32 $0x3000, s22  }
0x15a: {  	[hbm4b:s21+s2] =	stream.linear.scatter [tilespmem:s12], [sflag:$0x1], $0x400, $0x38;
	[tilespmem:$0xE030] =	vst v63  }
0x15b: {  	v41 =	vld.idx.msk [tilespmem:v28+s13+$0x0], $0xffff  }
0x15c: {  	v42 =	vadd.s32 v12, v35;
	v43 =	vld.idx.msk [tilespmem:v33+s13+$0x0], $0xffff  }
0x15d: {  	v45 =	vadd.s32 v14, v32;
	v32 =	vmov v24;
	v24 =	vmov v35;
	v44 =	vld.idx.msk [tilespmem:v31+s13+$0x0], $0xffff  }
0x15e: {  	v35 =	vld.idx.msk [tilespmem:v26+s13+$0x0], $0xffff  }
0x15f: {  	v46 =	vld.idx.msk [tilespmem:v30+s13+$0x0], $0xffff  }
0x160: {  	v47 =	vld.idx.msk [tilespmem:v27+s13+$0x0], $0xffff  }
0x161: {  	v41 =	vshll.u32 v41, $0x7;
	v48 =	vld.idx.msk [tilespmem:v29+s13+$0x0], $0xffff  }
0x162: {  	v43 =	vshll.u32 v43, $0x7;
	v49 =	vld.idx.msk [tilespmem:v45+s13+$0x0], $0xffff  }
0x163: {  	v51 =	vor.u32 v0, v43;
	v43 =	vshll.u32 v44, $0x7;
	v50 =	vld.idx.msk [tilespmem:v33+s14+$0x0], $0xffff;
	v33 =	vmovc v25;
	v25 =	vmov v36  }
0x164: {  	v52 =	vor.u32 v3, v43;
	v35 =	vshll.u32 v35, $0x7;
	v44 =	vld.idx.msk [tilespmem:v31+s14+$0x0], $0xffff;
	v31 =	vmovc v23;
	v23 =	vmov v38  }
0x165: {  	v53 =	vor.u32 v5, v41;
	v36 =	vshll.u32 v46, $0x7;
	v43 =	vld.idx.msk [tilespmem:v28+s14+$0x0], $0xffff;
	v28 =	vmovc v20;
	v20 =	vmov v34  }
0x166: {  	v54 =	vor.u32 v7, v36;
	v36 =	vshll.u32 v47, $0x7;
	v41 =	vld.idx.msk [tilespmem:v30+s14+$0x0], $0xffff;
	v30 =	vmovc v22;
	v22 =	vmov v39  }
0x167: {  	v34 =	vshll.u32 v48, $0x7;
	v46 =	vld.idx.msk [tilespmem:v29+s14+$0x0], $0xffff;
	v29 =	vmov v21;
	v21 =	vmov v40  }
0x168: {  	v38 =	vshll.u32 v49, $0x7;
	v47 =	vld.idx.msk [tilespmem:v51+s9+$0x0], $0xffff  }
0x169: {  	v48 =	vld.idx.msk [tilespmem:v52+s9+$0x0], $0xffff  }
0x16a: {  	v34 =	vor.u32 v9, v34;
	v49 =	vld.idx.msk [tilespmem:v53+s9+$0x0], $0xffff  }
0x16b: {  	v35 =	vor.u32 v11, v35;
	v55 =	vld.idx.msk [tilespmem:v54+s9+$0x0], $0xffff  }
0x16c: {  	v36 =	vor.u32 v13, v36;
	v56 =	vld.idx.msk [tilespmem:v26+s14+$0x0], $0xffff;
	v26 =	vmov v18;
	v18 =	vmov v37  }
0x16d: {  	v37 =	vor.u32 v15, v38;
	v57 =	vld.idx.msk [tilespmem:v27+s14+$0x0], $0xffff;
	v27 =	vmov v19;
	v19 =	vmov v42  }
0x16e: {  	v42 =	vsub.f32 v50, v47;
	v45 =	vld.idx.msk [tilespmem:v45+s14+$0x0], $0xffff  }
0x16f: {  	v44 =	vsub.f32 v44, v48;
	v38 =	vld.idx.msk [tilespmem:v34+s9+$0x0], $0xffff  }
0x170: {  	vm0 =	vge.f32 v42, $0.0e+00;
	v43 =	vsub.f32 v43, v49;
	v39 =	vld.idx.msk [tilespmem:v35+s9+$0x0], $0xffff  }
0x171: {  	v50 =	vsel vm0, v16, v17;
	vm0 =	vge.f32 v44, $0.0e+00;
	v58 =	vsub.f32 v41, v55;
	v40 =	vld.idx.msk [tilespmem:v36+s9+$0x0], $0xffff  }
0x172: {  	v42 =	vmul.f32 v50, v42;
	v50 =	vsel vm0, v16, v17;
	vm0 =	vge.f32 v43, $0.0e+00;
	v41 =	vld.idx.msk [tilespmem:v37+s9+$0x0], $0xffff  }
0x173: {  	v44 =	vmul.f32 v50, v44;
	v50 =	vsel vm0, v16, v17;
	vm0 =	vge.f32 v58, $0.0e+00;
	_ =	swait.ge [sflag:s15], $0x1000  }
0x174: {  	v42 =	vadd.f32 v42, v47;
	v43 =	vmul.f32 v50, v43;
	v47 =	vsel vm0, v16, v17;
	[sflag:s15] =	ssyncset.done $0x0  }
.Ltmp2:
0x175: {  	v44 =	vadd.f32 v44, v48;
	v47 =	vmul.f32 v47, v58;
	v46 =	vsub.f32 v46, v38;
	[sflag:s15] =	ssyncadd.s32 $0xFFFFF000;
	(pc) =	sbr.rel @p0 .LBB2_6-.Ltmp2, $4  }
0x176: {  	v48 =	vadd.f32 v43, v49;
	v43 =	vsub.f32 v56, v39;
	[tilespmem:v51+s9+$0x0] =	vst.idx.msk $0xffff, v42  }
0x177: {  	v47 =	vadd.f32 v47, v55;
	vm0 =	vge.f32 v46, $0.0e+00;
	v42 =	vsub.f32 v57, v40;
	[tilespmem:v52+s9+$0x0] =	vst.idx.msk $0xffff, v44  }
0x178: {  	v49 =	vsel vm0, v16, v17;
	vm0 =	vge.f32 v43, $0.0e+00;
	v44 =	vsub.f32 v45, v41;
	[tilespmem:v53+s9+$0x0] =	vst.idx.msk $0xffff, v48  }
0x179: {  	v45 =	vmul.f32 v49, v46;
	v46 =	vsel vm0, v16, v17;
	vm0 =	vge.f32 v42, $0.0e+00;
	[tilespmem:v54+s9+$0x0] =	vst.idx.msk $0xffff, v47  }
0x17a: {  	_ = 	snop  }
0x17b: {  	v43 =	vmul.f32 v46, v43;
	v55 =	vsel vm0, v16, v17;
	vm11 =	vge.f32 v44, $0.0e+00  }
0x17c: {  	v38 =	vadd.f32 v45, v38;
	v42 =	vmul.f32 v55, v42;
	v56 =	vsel vm11, v16, v17  }
0x17d: {  	v39 =	vadd.f32 v43, v39;
	v57 =	vmul.f32 v56, v44  }
0x17e: {  	v40 =	vadd.f32 v42, v40;
	[tilespmem:v34+s9+$0x0] =	vst.idx.msk $0xffff, v38  }
0x17f: {  	v58 =	vadd.f32 v57, v41;
	[tilespmem:v35+s9+$0x0] =	vst.idx.msk $0xffff, v39  }
0x180: {  	[tilespmem:v36+s9+$0x0] =	vst.idx.msk $0xffff, v40  }
0x181: {  	s18 =	sadd.s32 s19, s7;
	[tilespmem:v37+s9+$0x0] =	vst.idx.msk $0xffff, v58  }
0x182: {  	[hbm4b:s18+s2] =	stream.linear.scatter [tilespmem:s9], [sflag:$0x1], $0x400, $0x38;
	[tilespmem:$0xE030] =	vst v63  }
0x183: {  	s19 =	sadd.s32 $0x1000, s18  }
0x184: {  	[hbm4b:s19+s2] =	stream.linear.scatter [tilespmem:s10], [sflag:$0x1], $0x400, $0x38;
	[tilespmem:$0xE030] =	vst v63  }
0x185: {  	s29 =	sadd.s32 $0x2000, s18  }
0x186: {  	[hbm4b:s29+s2] =	stream.linear.scatter [tilespmem:s11], [sflag:$0x1], $0x400, $0x38;
	[tilespmem:$0xE030] =	vst v63  }
0x187: {  	s18 =	sadd.s32 $0x3000, s18  }
0x188: {  	[hbm4b:s18+s2] =	stream.linear.scatter [tilespmem:s12], [sflag:$0x1], $0x400, $0x38;
	[tilespmem:$0xE030] =	vst v63  }
0x189: {  	v34 =	vld.idx.msk [tilespmem:v28+s13+$0x0], $0xffff  }
0x18a: {  	v35 =	vld.idx.msk [tilespmem:v33+s13+$0x0], $0xffff  }
0x18b: {  	v32 =	vadd.s32 v14, v32;
	v36 =	vld.idx.msk [tilespmem:v31+s13+$0x0], $0xffff  }
0x18c: {  	v37 =	vld.idx.msk [tilespmem:v26+s13+$0x0], $0xffff  }
0x18d: {  	v38 =	vld.idx.msk [tilespmem:v30+s13+$0x0], $0xffff  }
0x18e: {  	v39 =	vld.idx.msk [tilespmem:v27+s13+$0x0], $0xffff  }
0x18f: {  	v40 =	vld.idx.msk [tilespmem:v29+s13+$0x0], $0xffff  }
0x190: {  	v59 =	vld.idx.msk [tilespmem:v32+s13+$0x0], $0xffff  }
0x191: {  	v60 =	vld.idx.msk [tilespmem:v33+s14+$0x0], $0xffff  }
0x192: {  	v61 =	vld.idx.msk [tilespmem:v31+s14+$0x0], $0xffff  }
0x193: {  	v62 =	vld.idx.msk [tilespmem:v28+s14+$0x0], $0xffff;
	v35 =	vshll.u32 v35, $0x7  }
0x194: {  	v63 =	vld.idx.msk [tilespmem:v30+s14+$0x0], $0xffff;
	v36 =	vshll.u32 v36, $0x7;
	v35 =	vor.u32 v0, v35  }
0x195: {  	v52 =	vld.idx.msk [tilespmem:v29+s14+$0x0], $0xffff;
	v34 =	vshll.u32 v34, $0x7;
	v36 =	vor.u32 v3, v36  }
0x196: {  	v57 =	vld.idx.msk [tilespmem:v26+s14+$0x0], $0xffff;
	v38 =	vshll.u32 v38, $0x7;
	v34 =	vor.u32 v5, v34  }
0x197: {  	v58 =	vld.idx.msk [tilespmem:v27+s14+$0x0], $0xffff;
	v40 =	vshll.u32 v40, $0x7;
	v38 =	vor.u32 v7, v38  }
0x198: {  	v32 =	vld.idx.msk [tilespmem:v32+s14+$0x0], $0xffff;
	v37 =	vshll.u32 v37, $0x7;
	v40 =	vor.u32 v9, v40  }
0x199: {  	v39 =	vshll.u32 v39, $0x7;
	v37 =	vor.u32 v11, v37;
	v53 =	vld.idx.msk [tilespmem:v35+s9+$0x0], $0xffff  }
0x19a: {  	v41 =	vshll.u32 v59, $0x7;
	v39 =	vor.u32 v13, v39;
	v54 =	vld.idx.msk [tilespmem:v36+s9+$0x0], $0xffff  }
0x19b: {  	v41 =	vor.u32 v15, v41;
	v55 =	vld.idx.msk [tilespmem:v34+s9+$0x0], $0xffff  }
0x19c: {  	v56 =	vld.idx.msk [tilespmem:v38+s9+$0x0], $0xffff  }
0x19d: {  	v59 =	vld.idx.msk [tilespmem:v40+s9+$0x0], $0xffff  }
0x19e: {  	v47 =	vld.idx.msk [tilespmem:v37+s9+$0x0], $0xffff  }
0x19f: {  	v49 =	vld.idx.msk [tilespmem:v39+s9+$0x0], $0xffff  }
0x1a0: {  	v50 =	vld.idx.msk [tilespmem:v41+s9+$0x0], $0xffff;
	_ =	sdelay $0x1  }
0x1a1: {  	v33 =	vsub.f32 v60, v53;
	v31 =	vsub.f32 v61, v54  }
0x1a2: {  	v28 =	vsub.f32 v62, v55;
	v30 =	vsub.f32 v63, v56  }
0x1a3: {  	v29 =	vsub.f32 v52, v59;
	v26 =	vsub.f32 v57, v47  }
0x1a4: {  	v27 =	vsub.f32 v58, v49;
	v32 =	vsub.f32 v32, v50;
	vm12 =	vge.f32 v33, $0.0e+00  }
0x1a5: {  	vm13 =	vge.f32 v31, $0.0e+00;
	vm14 =	vge.f32 v28, $0.0e+00;
	vm15 =	vge.f32 v30, $0.0e+00  }
0x1a6: {  	vm4 =	vge.f32 v29, $0.0e+00;
	vm5 =	vge.f32 v26, $0.0e+00;
	vm6 =	vge.f32 v27, $0.0e+00  }
0x1a7: {  	vm7 =	vge.f32 v32, $0.0e+00;
	v48 =	vsel vm12, v16, v17;
	v60 =	vsel vm13, v16, v17  }
0x1a8: {  	v61 =	vsel vm14, v16, v17;
	v62 =	vsel vm15, v16, v17;
	v33 =	vmul.f32 v48, v33  }
0x1a9: {  	_ =	swait.ge [sflag:s15], $0x1000;
	v63 =	vsel vm4, v16, v17;
	v42 =	vsel vm5, v16, v17;
	v31 =	vmul.f32 v60, v31  }
0x1aa: {  	[sflag:s15] =	ssyncset.done $0x0;
	v43 =	vsel vm6, v16, v17;
	v28 =	vmul.f32 v61, v28;
	v33 =	vadd.f32 v33, v53  }
0x1ab: {  	[sflag:s15] =	ssyncadd.s32 $0xFFFFF000;
	v44 =	vsel vm7, v16, v17;
	v30 =	vmul.f32 v62, v30;
	v31 =	vadd.f32 v31, v54  }
0x1ac: {  	v29 =	vmul.f32 v63, v29;
	v28 =	vadd.f32 v28, v55;
	[tilespmem:v35+s9+$0x0] =	vst.idx.msk $0xffff, v33  }
0x1ad: {  	v26 =	vmul.f32 v42, v26;
	v30 =	vadd.f32 v30, v56;
	[tilespmem:v36+s9+$0x0] =	vst.idx.msk $0xffff, v31  }
0x1ae: {  	v27 =	vmul.f32 v43, v27;
	v29 =	vadd.f32 v29, v59;
	[tilespmem:v34+s9+$0x0] =	vst.idx.msk $0xffff, v28  }
0x1af: {  	v26 =	vadd.f32 v26, v47;
	v28 =	vmul.f32 v44, v32;
	[tilespmem:v38+s9+$0x0] =	vst.idx.msk $0xffff, v30  }
0x1b0: {  	v27 =	vadd.f32 v27, v49;
	[tilespmem:v40+s9+$0x0] =	vst.idx.msk $0xffff, v29  }
0x1b1: {  	v28 =	vadd.f32 v28, v50;
	[tilespmem:v37+s9+$0x0] =	vst.idx.msk $0xffff, v26  }
0x1b2: {  	[tilespmem:v39+s9+$0x0] =	vst.idx.msk $0xffff, v27  }
0x1b3: {  	s17 =	sadd.s32 s17, s7;
	[tilespmem:v41+s9+$0x0] =	vst.idx.msk $0xffff, v28  }
0x1b4: {  	[hbm4b:s17+s2] =	stream.linear.scatter [tilespmem:s9], [sflag:$0x1], $0x400, $0x38;
	[tilespmem:$0xE030] =	vst v63  }
0x1b5: {  	s30 =	sadd.s32 $0x1000, s17  }
0x1b6: {  	[hbm4b:s30+s2] =	stream.linear.scatter [tilespmem:s10], [sflag:$0x1], $0x400, $0x38;
	[tilespmem:$0xE030] =	vst v63  }
0x1b7: {  	s31 =	sadd.s32 $0x2000, s17  }
0x1b8: {  	[hbm4b:s31+s2] =	stream.linear.scatter [tilespmem:s11], [sflag:$0x1], $0x400, $0x38;
	[tilespmem:$0xE030] =	vst v63  }
0x1b9: {  	s17 =	sadd.s32 $0x3000, s17  }
0x1ba: {  	[hbm4b:s17+s2] =	stream.linear.scatter [tilespmem:s12], [sflag:$0x1], $0x400, $0x38;
	[tilespmem:$0xE030] =	vst v63  }
0x1bb: {  	v26 =	vld.idx.msk [tilespmem:v20+s13+$0x0], $0xffff  }
0x1bc: {  	v27 =	vld.idx.msk [tilespmem:v25+s13+$0x0], $0xffff  }
0x1bd: {  	v24 =	vadd.s32 v14, v24;
	v28 =	vld.idx.msk [tilespmem:v23+s13+$0x0], $0xffff  }
0x1be: {  	v29 =	vld.idx.msk [tilespmem:v18+s13+$0x0], $0xffff  }
0x1bf: {  	v30 =	vld.idx.msk [tilespmem:v22+s13+$0x0], $0xffff  }
0x1c0: {  	v45 =	vld.idx.msk [tilespmem:v19+s13+$0x0], $0xffff  }
0x1c1: {  	v46 =	vld.idx.msk [tilespmem:v21+s13+$0x0], $0xffff  }
0x1c2: {  	v47 =	vld.idx.msk [tilespmem:v24+s13+$0x0], $0xffff  }
0x1c3: {  	v48 =	vld.idx.msk [tilespmem:v25+s14+$0x0], $0xffff  }
0x1c4: {  	v49 =	vld.idx.msk [tilespmem:v23+s14+$0x0], $0xffff  }
0x1c5: {  	v50 =	vld.idx.msk [tilespmem:v20+s14+$0x0], $0xffff;
	v27 =	vshll.u32 v27, $0x7  }
0x1c6: {  	v51 =	vld.idx.msk [tilespmem:v22+s14+$0x0], $0xffff;
	v28 =	vshll.u32 v28, $0x7;
	v27 =	vor.u32 v0, v27  }
0x1c7: {  	v52 =	vld.idx.msk [tilespmem:v21+s14+$0x0], $0xffff;
	v26 =	vshll.u32 v26, $0x7;
	v28 =	vor.u32 v3, v28  }
0x1c8: {  	v53 =	vld.idx.msk [tilespmem:v18+s14+$0x0], $0xffff;
	v30 =	vshll.u32 v30, $0x7;
	v26 =	vor.u32 v5, v26  }
0x1c9: {  	v54 =	vld.idx.msk [tilespmem:v19+s14+$0x0], $0xffff;
	v32 =	vshll.u32 v46, $0x7;
	v30 =	vor.u32 v7, v30  }
0x1ca: {  	v24 =	vld.idx.msk [tilespmem:v24+s14+$0x0], $0xffff;
	v29 =	vshll.u32 v29, $0x7;
	v32 =	vor.u32 v9, v32  }
0x1cb: {  	v31 =	vshll.u32 v45, $0x7;
	v29 =	vor.u32 v11, v29;
	v34 =	vld.idx.msk [tilespmem:v27+s9+$0x0], $0xffff  }
0x1cc: {  	v33 =	vshll.u32 v47, $0x7;
	v31 =	vor.u32 v13, v31;
	v35 =	vld.idx.msk [tilespmem:v28+s9+$0x0], $0xffff  }
0x1cd: {  	v33 =	vor.u32 v15, v33;
	v36 =	vld.idx.msk [tilespmem:v26+s9+$0x0], $0xffff  }
0x1ce: {  	v37 =	vld.idx.msk [tilespmem:v30+s9+$0x0], $0xffff  }
0x1cf: {  	v38 =	vld.idx.msk [tilespmem:v32+s9+$0x0], $0xffff  }
0x1d0: {  	v39 =	vld.idx.msk [tilespmem:v29+s9+$0x0], $0xffff  }
0x1d1: {  	v41 =	vld.idx.msk [tilespmem:v31+s9+$0x0], $0xffff  }
0x1d2: {  	v57 =	vld.idx.msk [tilespmem:v33+s9+$0x0], $0xffff;
	_ =	sdelay $0x1  }
0x1d3: {  	v25 =	vsub.f32 v48, v34;
	v23 =	vsub.f32 v49, v35  }
0x1d4: {  	v20 =	vsub.f32 v50, v36;
	v22 =	vsub.f32 v51, v37  }
0x1d5: {  	v21 =	vsub.f32 v52, v38;
	v18 =	vsub.f32 v53, v39  }
0x1d6: {  	v19 =	vsub.f32 v54, v41;
	v24 =	vsub.f32 v24, v57;
	vm8 =	vge.f32 v25, $0.0e+00  }
0x1d7: {  	vm9 =	vge.f32 v23, $0.0e+00;
	vm10 =	vge.f32 v20, $0.0e+00;
	vm11 =	vge.f32 v22, $0.0e+00  }
0x1d8: {  	vm12 =	vge.f32 v21, $0.0e+00;
	vm13 =	vge.f32 v18, $0.0e+00;
	vm14 =	vge.f32 v19, $0.0e+00  }
0x1d9: {  	vm15 =	vge.f32 v24, $0.0e+00;
	v55 =	vsel vm8, v16, v17;
	v56 =	vsel vm9, v16, v17  }
0x1da: {  	v58 =	vsel vm10, v16, v17;
	v59 =	vsel vm11, v16, v17;
	v25 =	vmul.f32 v55, v25  }
0x1db: {  	_ =	swait.ge [sflag:s15], $0x1000;
	v60 =	vsel vm12, v16, v17;
	v61 =	vsel vm13, v16, v17;
	v23 =	vmul.f32 v56, v23  }
0x1dc: {  	[sflag:s15] =	ssyncset.done $0x0;
	v62 =	vsel vm14, v16, v17;
	v20 =	vmul.f32 v58, v20;
	v25 =	vadd.f32 v25, v34  }
0x1dd: {  	[sflag:s15] =	ssyncadd.s32 $0xFFFFF000;
	v16 =	vsel vm15, v16, v17;
	v22 =	vmul.f32 v59, v22;
	v23 =	vadd.f32 v23, v35  }
0x1de: {  	v21 =	vmul.f32 v60, v21;
	v20 =	vadd.f32 v20, v36;
	[tilespmem:v27+s9+$0x0] =	vst.idx.msk $0xffff, v25  }
0x1df: {  	s16 =	sadd.s32 $0x1, s16;
	v18 =	vmul.f32 v61, v18;
	v22 =	vadd.f32 v22, v37;
	[tilespmem:v28+s9+$0x0] =	vst.idx.msk $0xffff, v23  }
0x1e0: {  	p0 =	sne.s32 s16, s6;
	v19 =	vmul.f32 v62, v19;
	v21 =	vadd.f32 v21, v38;
	[tilespmem:v26+s9+$0x0] =	vst.idx.msk $0xffff, v20  }
.Ltmp3:
0x1e1: {  	v16 =	vmul.f32 v16, v24;
	v17 =	vadd.f32 v18, v39;
	[tilespmem:v30+s9+$0x0] =	vst.idx.msk $0xffff, v22;
	(pc) =	sbr.rel @p0 .LBB2_1-.Ltmp3, $4  }
0x1e2: {  	v63 =	vadd.f32 v19, v41;
	[tilespmem:v32+s9+$0x0] =	vst.idx.msk $0xffff, v21  }
0x1e3: {  	v16 =	vadd.f32 v16, v57;
	[tilespmem:v29+s9+$0x0] =	vst.idx.msk $0xffff, v17  }
0x1e4: {  	[tilespmem:v31+s9+$0x0] =	vst.idx.msk $0xffff, v63  }
0x1e5: {  	[tilespmem:v33+s9+$0x0] =	vst.idx.msk $0xffff, v16  }
0x1e6: {  	_ =	sfence.sel $0x180000  }
0x1e7: {  	[bflag:$0x0] =	sbarrier.arrive $0xFFFF  }
0x1e8: {  	p0 =	sne.s32 s0, $0x0;
	_ =	strace $0x90000047  }
0x1e9: {  	s0 =	sadd.s32 @!p0 $0x100000, s1;
	[bflag:$0x2] =	sbarrier.arrive $0xFFFF  }
0x1ea: {  	[sflag:s0] =	ssyncadd.tile.s32 @!p0 $0x1;
	_ =	shalt  }
.Lfunc_end2:
_tile_overlayer_lowered:
.L_overlay_start_2:
0x1eb: {  	(tag) =	ssettag $0x2  }
0x1ec: {  	s0 =	rddreg [dreg:$0x0];
	s2 =	stileid.u32  }
0x1ed: {  	s1 =	rddreg [dreg:$0x1];
	p0 =	sne.s32 s2, $0x0  }
0x1ee: {  	s3 =	rddreg [dreg:$0x2];
	[bflag:$0x3] =	sbarrier.arrive $0xFFFF;
	s2 =	simm.s32 @!p0 $0x1C02  }
0x1ef: {  	[timem:s3], [sflag:s2] =	dma.local @!p0 [hbm:s0], s1  }
0x1f0: {  	s0 =	simm.s32 @!p0 $0x2  }
0x1f1: {  	_ =	swait.ge @!p0 [sflag:s0], s1  }
0x1f2: {  	s1 =	ssub.s32 @!p0 $0x0, s1;
	[sflag:s0] =	ssyncset.done @!p0 $0x0  }
0x1f3: {  	[sflag:s0] =	ssyncadd.s32 @!p0 s1  }
0x1f4: {  	[bflag:$0x3] =	sbarrier.arrive $0xFFFF  }
0x1f5: {  	_ =	shalt  }

</sc_bundles>
